<compile_context>
chip_gen: v7x
topology: tpu7x:2x2x1
jax: 0.10.2.dev20260603
libtpu: 0.0.44.dev20260713+nightly
codegen_flags: <defaults>
</compile_context>

<pallas_src>
import functools

import jax
import jax.numpy as jnp
from jax import lax
from jax.experimental import pallas as pl
from jax.experimental.pallas import tpu as pltpu
from jax.experimental.pallas import tpu_sc as plsc

_NUM_CONT = 13
_NUM_CAT = 26
_NUM_TOK = _NUM_CONT + _NUM_CAT
_NUM_BINS = 50
_VOCAB = 100000
_EMB = 64
_BATCH = 4096

_NC = 2
_NS = 16
_NW = _NC * _NS
_BPW = _BATCH // _NW

_SPLIT = 49920
_VB = 4992
_NLO = _SPLIT // _VB
_NCH = _NLO + 1
_ZSTRIDE = _NCH * _VB


def _project_cat(xt, W, b2, f0, nf):

    def body(x0_ref, x1_ref, w_ref, b_ref, out_ref):
        def mm(x):
            return lax.dot_general(x, w_ref[...], (((0,), (1,)), ((), ())),
                                   preferred_element_type=jnp.float32)

        y = jnp.concatenate([mm(x0_ref[0]), mm(x1_ref[0])], axis=1)
        out_ref[...] = y + b_ref[...]

    return pl.pallas_call(
        body,
        grid=(nf, _NCH),
        in_specs=[
            pl.BlockSpec((1, _EMB, _VB),
                         lambda f, c: (f0 + f, 0, jnp.minimum(c, _NLO - 1))),
            pl.BlockSpec((1, _EMB, _VB), lambda f, c: (f0 + f, 0, c + _NLO)),
            pl.BlockSpec((_EMB, _EMB), lambda f, c: (0, 0)),
            pl.BlockSpec((1, 2 * _EMB), lambda f, c: (0, 0)),
        ],
        out_specs=pl.BlockSpec((_VB, 2 * _EMB),
                               lambda f, c: (f * _NCH + c, 0)),
        out_shape=jax.ShapeDtypeStruct((nf * _ZSTRIDE, 2 * _EMB),
                                       jnp.float32),
    )(xt, xt, W, b2)


def _cont_tokens(cont_t, bin_tables, W, bcol):

    def body(x_ref, t_ref, w_ref, b_ref, out_ref):
        idx = jnp.clip((x_ref[0] * jnp.float32(_NUM_BINS)).astype(jnp.int32),
                       0, _NUM_BINS - 1)
        rows = lax.broadcasted_iota(jnp.int32, (_NUM_BINS, _BATCH), 0)
        onehot = (rows == idx).astype(jnp.float32)
        tok = lax.dot_general(t_ref[0], onehot, (((0,), (0,)), ((), ())),
                              preferred_element_type=jnp.float32)
        y = lax.dot_general(w_ref[...], tok, (((1,), (0,)), ((), ())),
                            preferred_element_type=jnp.float32)
        out_ref[...] = (y + b_ref[...]).reshape(1, _EMB, _BATCH)

    return pl.pallas_call(
        body,
        grid=(_NUM_CONT,),
        in_specs=[
            pl.BlockSpec((1, 1, _BATCH), lambda f: (f, 0, 0)),
            pl.BlockSpec((1, _NUM_BINS, _EMB), lambda f: (f, 0, 0)),
            pl.BlockSpec((_EMB, _EMB), lambda f: (0, 0)),
            pl.BlockSpec((_EMB, 1), lambda f: (0, 0)),
        ],
        out_specs=pl.BlockSpec((1, _EMB, _BATCH), lambda f: (f, 0, 0)),
        out_shape=jax.ShapeDtypeStruct((_NUM_CONT, _EMB, _BATCH), jnp.float32),
    )(cont_t, bin_tables, W, bcol)


def _sc_gather(cat_t, zcat, nf):
    mesh = plsc.VectorSubcoreMesh(core_axis_name="c", subcore_axis_name="s")

    @functools.partial(
        pl.kernel,
        out_type=jax.ShapeDtypeStruct((nf * _EMB, _BATCH), jnp.float32),
        mesh=mesh,
        scratch_types=[
            pltpu.VMEM((nf, _BPW), jnp.int32),
            pltpu.VMEM((_BPW,), jnp.int32),
            pltpu.VMEM((_BPW,), jnp.int32),
            pltpu.VMEM((_BPW, 2 * _EMB), jnp.float32),
            pltpu.VMEM((_EMB, _BPW), jnp.float32),
            pltpu.SemaphoreType.DMA,
        ],
        compiler_params=pltpu.CompilerParams(
            needs_layout_passes=False, use_tc_tiling_on_sc=True
        ),
    )
    def gather_kernel(cat_hbm, zcat_hbm, out_hbm,
                      qv, pidx_v, half_v, prow_v, tbuf_v, sem):
        wid = lax.axis_index("s") * _NC + lax.axis_index("c")
        base_b = wid * _BPW

        pltpu.sync_copy(cat_hbm.at[:, pl.ds(base_b, _BPW)], qv)

        def move_block(fb, table_hbm):
            pltpu.async_copy(table_hbm.at[pidx_v], prow_v, sem).wait()

            def j_body(j, _):
                row16 = j * 16 + lax.iota(jnp.int32, 16)
                col_base = half_v[pl.ds(j * 16, 16)]

                def e_body(e, _):
                    tbuf_v[e, pl.ds(j * 16, 16)] = plsc.load_gather(
                        prow_v, [row16, col_base + e]
                    )
                    return 0

                lax.fori_loop(0, _EMB, e_body, 0)
                return 0

            lax.fori_loop(0, _BPW // 16, j_body, 0)
            pltpu.sync_copy(
                tbuf_v,
                out_hbm.at[pl.ds(fb * _EMB, _EMB), pl.ds(base_b, _BPW)],
            )

        def cat_body(f, _):
            def idx_body(j, _):
                v = qv[f, pl.ds(j * 16, 16)]
                h = (v >= _SPLIT).astype(jnp.int32)
                pidx_v[pl.ds(j * 16, 16)] = v - h * _SPLIT + f * _ZSTRIDE
                half_v[pl.ds(j * 16, 16)] = h * _EMB
                return 0

            lax.fori_loop(0, _BPW // 16, idx_body, 0)
            move_block(f, zcat_hbm)
            return 0

        lax.fori_loop(0, nf, cat_body, 0)

    return gather_kernel(cat_t, zcat)


def kernel(continuous_features, categorical_features, bin_tables, cat_tables, W, b):
    b2 = jnp.concatenate([b, b]).reshape(1, 2 * _EMB)
    xt = jnp.transpose(cat_tables, (0, 2, 1))
    qt = categorical_features.T.astype(jnp.int32)
    gathered = []
    for f0, nf in ((0, 7), (7, 7), (14, 6), (20, 6)):
        zc = _project_cat(xt, W, b2, f0, nf)
        g = _sc_gather(qt[f0:f0 + nf], zc, nf)
        gathered.append(g.reshape(nf, _EMB, _BATCH))
    cont_t = _cont_tokens(
        continuous_features.T.reshape(_NUM_CONT, 1, _BATCH),
        bin_tables, W, b.reshape(_EMB, 1))
    out = jnp.concatenate([cont_t] + gathered, axis=0)
    return jnp.transpose(out, (2, 0, 1))

# --- scband reference (transcript-rebuilt; emitter-appended) ---
"""Pipeline reference for scband-feature-tokenizer-68444598829198 (READ-ONLY COPY).

The authoritative reference and input builder live on the scoring server;
editing this copy changes nothing except your own understanding.
"""

import jax, jax.numpy as jnp
import numpy as np

NUM_CONT = 13
NUM_CAT = 26
NUM_BINS = 50
VOCAB = 100000
EMB = 64
BATCH = 4096


def setup_inputs(seed: int = 0) -> dict:
    key = jax.random.key(seed)
    ks = jax.random.split(key, 6)
    continuous_features = jax.random.uniform(ks[0], (BATCH, NUM_CONT), dtype=jnp.float32)
    categorical_features = jax.random.randint(ks[1], (BATCH, NUM_CAT), 0, VOCAB, dtype=jnp.int32)
    # learned params: per-feature embedding tables stacked along a leading axis
    bin_tables = jax.random.normal(ks[2], (NUM_CONT, NUM_BINS, EMB), dtype=jnp.float32)
    cat_tables = jax.random.normal(ks[3], (NUM_CAT, VOCAB, EMB), dtype=jnp.float32)
    bound = 1.0 / np.sqrt(EMB)
    W = jax.random.uniform(ks[4], (EMB, EMB), dtype=jnp.float32, minval=-bound, maxval=bound)
    b = jax.random.uniform(ks[5], (EMB,), dtype=jnp.float32, minval=-bound, maxval=bound)
    return {
        "continuous_features": continuous_features,
        "categorical_features": categorical_features,
        "bin_tables": bin_tables,
        "cat_tables": cat_tables,
        "W": W,
        "b": b,
    }


def reference(continuous_features, categorical_features, bin_tables, cat_tables, W, b):
    # bin continuous features: clamp((feat * num_bins).long(), 0, num_bins-1)
    bin_idx = jnp.clip((continuous_features * NUM_BINS).astype(jnp.int32), 0, NUM_BINS - 1)  # [B, 13]
    # per-column embedding lookup (gather) for continuous bins
    cont_tok = jax.vmap(lambda t, i: jnp.take(t, i, axis=0), in_axes=(0, 1), out_axes=1)(
        bin_tables, bin_idx
    )  # [B, 13, EMB]
    # per-column embedding lookup for categorical features
    cat_idx = categorical_features.astype(jnp.int32)
    cat_tok = jax.vmap(lambda t, i: jnp.take(t, i, axis=0), in_axes=(0, 1), out_axes=1)(
        cat_tables, cat_idx
    )  # [B, 26, EMB]
    # torch.stack(tokens, dim=1): continuous tokens first, then categorical
    tokens = jnp.concatenate([cont_tok, cat_tok], axis=1)  # [B, 39, EMB]
    # projection (nn.Linear): x @ W^T + b
    return tokens @ W.T + b

if __name__ == "__main__":
    import jax
    _d = setup_inputs()
    print(jax.jit(kernel)(*tuple(_d.values())))

</pallas_src>

<mosaic_0001>
#map = affine_map<(d0, d1) -> (0, 0)>
module attributes {stable_mosaic.version = 14 : i64} {
  func.func @gather_kernel(%arg0: i32, %arg1: i32, %arg2: memref<7x4096xi32, #tpu.memory_space<hbm>>, %arg3: memref<384384x128xf32, #tpu.memory_space<hbm>>, %arg4: memref<448x4096xf32, #tpu.memory_space<hbm>>, %arg5: memref<7x128xi32, #tpu.memory_space<vmem>>, %arg6: memref<128xi32, #tpu.memory_space<vmem>>, %arg7: memref<128xi32, #tpu.memory_space<vmem>>, %arg8: memref<128x128xf32, #tpu.memory_space<vmem>>, %arg9: memref<64x128xf32, #tpu.memory_space<vmem>>, %arg10: memref<!tpu.dma_semaphore, #tpu.memory_space<semaphore_mem>>) attributes {dimension_semantics = [#tpu.dimension_semantics<core_parallel>, #tpu.dimension_semantics<subcore_parallel>], iteration_bounds = array<i64: 2, 16>, scalar_prefetch = 0 : i64, scratch_operands = 6 : i64, tpu.core_type = #tpu.core_type<sc_vector_subcore>, window_params = [{transform_indices = #map}, {transform_indices = #map}, {transform_indices = #map}]} {
    %mul3A = arith.constant 2 : i32
    %mul3A_0 = arith.muli %arg1, %mul3A : i32
    %add3A = arith.addi %mul3A_0, %arg0 : i32
    %mul3A_1 = arith.constant 128 : i32
    %mul3A_2 = arith.muli %add3A, %mul3A_1 : i32
    "tpu.region"() ({
      %run_scoped3A = tpu.sem_alloc : memref<!tpu.dma_semaphore, #tpu.memory_space<semaphore_mem>>
      %dma_start3A = arith.constant 0 : i32
      %dma_start3A_9 = tpu.memref_slice %arg2[%dma_start3A, %mul3A_2] : memref<7x4096xi32, #tpu.memory_space<hbm>> -> memref<7x128xi32, #tpu.memory_space<hbm>>
      %dma_start3A_10 = arith.constant 0 : i32
      %dma_start3A_11 = tpu.memref_slice %arg2[%dma_start3A_10, %mul3A_2] : memref<7x4096xi32, #tpu.memory_space<hbm>> -> memref<7x128xi32, #tpu.memory_space<hbm>>
      tpu.enqueue_dma source(%dma_start3A_11 : memref<7x128xi32, #tpu.memory_space<hbm>>) target(%arg5 : memref<7x128xi32, #tpu.memory_space<vmem>>) target_semaphore(%run_scoped3A : memref<!tpu.dma_semaphore, #tpu.memory_space<semaphore_mem>>)
      %dma_wait3A = arith.constant 0 : i32
      %dma_wait3A_12 = tpu.memref_slice %arg2[%dma_wait3A, %mul3A_2] : memref<7x4096xi32, #tpu.memory_space<hbm>> -> memref<7x128xi32, #tpu.memory_space<hbm>>
      %dma_wait3A_13 = arith.constant 0 : i32
      %dma_wait3A_14 = tpu.memref_slice %arg2[%dma_wait3A_13, %mul3A_2] : memref<7x4096xi32, #tpu.memory_space<hbm>> -> memref<7x128xi32, #tpu.memory_space<hbm>>
      tpu.wait_dma2 semaphore(%run_scoped3A : memref<!tpu.dma_semaphore, #tpu.memory_space<semaphore_mem>>) src(%dma_wait3A_14 : memref<7x128xi32, #tpu.memory_space<hbm>>) dst(%arg5 : memref<7x128xi32, #tpu.memory_space<vmem>>)
      tpu.yield
    }) : () -> ()
    %scan3A = arith.constant 0 : i32
    %scan3A_3 = arith.constant 0 : i32
    %scan3A_4 = arith.constant 7 : i32
    %scan3A_5 = arith.addi %scan3A_3, %scan3A_4 : i32
    %scan3A_6 = arith.constant 1 : i32
    %scan3A_7 = scf.for %scan3A_9 = %scan3A_3 to %scan3A_5 step %scan3A_6 iter_args(%scan3A_10 = %scan3A) -> (i32)  : i32 {
      %scan3A_11 = arith.constant 0 : i32
      %scan3A_12 = arith.constant 0 : i32
      %scan3A_13 = arith.constant 8 : i32
      %scan3A_14 = arith.addi %scan3A_12, %scan3A_13 : i32
      %scan3A_15 = arith.constant 1 : i32
      %scan3A_16 = scf.for %scan3A_32 = %scan3A_12 to %scan3A_14 step %scan3A_15 iter_args(%scan3A_33 = %scan3A_11) -> (i32)  : i32 {
        %mul3A_34 = arith.constant 16 : i32
        %mul3A_35 = arith.muli %scan3A_32, %mul3A_34 : i32
        %get3A = arith.index_cast %scan3A_9 : i32 to index
        %get3A_36 = arith.index_cast %mul3A_35 : i32 to index
        %get3A_37 = tpu.vector_load %arg5[%get3A, %get3A_36] {strides = array<i32>} : memref<7x128xi32, #tpu.memory_space<vmem>>, vector<16xi32>,
        %ge3A = arith.constant 49920 : i32
        %ge3A_38 = vector.broadcast %ge3A : i32 to vector<16xi32>
        %ge3A_39 = arith.cmpi sge, %get3A_37, %ge3A_38 : vector<16xi32>
        %convert_element_type3A = arith.extui %ge3A_39 : vector<16xi1> to vector<16xi32>
        %mul3A_40 = arith.constant 49920 : i32
        %mul3A_41 = vector.broadcast %mul3A_40 : i32 to vector<16xi32>
        %mul3A_42 = arith.muli %convert_element_type3A, %mul3A_41 : vector<16xi32>
        %sub3A = arith.subi %get3A_37, %mul3A_42 : vector<16xi32>
        %mul3A_43 = arith.constant 54912 : i32
        %mul3A_44 = arith.muli %scan3A_9, %mul3A_43 : i32
        %add3A_45 = vector.broadcast %mul3A_44 : i32 to vector<16xi32>
        %add3A_46 = arith.addi %sub3A, %add3A_45 : vector<16xi32>
        %mul3A_47 = arith.constant 16 : i32
        %mul3A_48 = arith.muli %scan3A_32, %mul3A_47 : i32
        %swap3A = arith.index_cast %mul3A_48 : i32 to index
        %swap3A_49 = tpu.vector_load %arg6[%swap3A] {strides = array<i32>} : memref<128xi32, #tpu.memory_space<vmem>>, vector<16xi32>,
        tpu.vector_store %arg6[%swap3A], %add3A_46 {strides = array<i32>} : memref<128xi32, #tpu.memory_space<vmem>>, vector<16xi32>,
        %mul3A_50 = arith.constant 64 : i32
        %mul3A_51 = vector.broadcast %mul3A_50 : i32 to vector<16xi32>
        %mul3A_52 = arith.muli %convert_element_type3A, %mul3A_51 : vector<16xi32>
        %mul3A_53 = arith.constant 16 : i32
        %mul3A_54 = arith.muli %scan3A_32, %mul3A_53 : i32
        %swap3A_55 = arith.index_cast %mul3A_54 : i32 to index
        %swap3A_56 = tpu.vector_load %arg7[%swap3A_55] {strides = array<i32>} : memref<128xi32, #tpu.memory_space<vmem>>, vector<16xi32>,
        tpu.vector_store %arg7[%swap3A_55], %mul3A_52 {strides = array<i32>} : memref<128xi32, #tpu.memory_space<vmem>>, vector<16xi32>,
        %scan3A_57 = arith.constant 0 : i32
        scf.yield %scan3A_57 : i32
      }
      %scan3A_17 = arith.constant 8 : i32
      %dma_start3A = arith.constant 0 : i32
      %dma_start3A_18 = arith.constant 0 : i32
      %dma_start3A_19 = tpu.memref_slice %arg3[%dma_start3A, %dma_start3A_18] : memref<384384x128xf32, #tpu.memory_space<hbm>> -> memref<384384x128xf32, #tpu.memory_space<hbm>>
      tpu.enqueue_indirect_dma source(%dma_start3A_19 : memref<384384x128xf32, #tpu.memory_space<hbm>>) target(%arg8 : memref<128x128xf32, #tpu.memory_space<vmem>>) offsets(%arg6 : memref<128xi32, #tpu.memory_space<vmem>>) semaphore(%arg10 : memref<!tpu.dma_semaphore, #tpu.memory_space<semaphore_mem>>)
      %dma_wait3A = arith.constant 0 : i32
      %dma_wait3A_20 = arith.constant 0 : i32
      %dma_wait3A_21 = tpu.memref_slice %arg3[%dma_wait3A, %dma_wait3A_20] : memref<384384x128xf32, #tpu.memory_space<hbm>> -> memref<384384x128xf32, #tpu.memory_space<hbm>>
      tpu.wait_indirect_dma semaphore(%arg10 : memref<!tpu.dma_semaphore, #tpu.memory_space<semaphore_mem>>) src(%dma_wait3A_21 : memref<384384x128xf32, #tpu.memory_space<hbm>>) dst(%arg8 : memref<128x128xf32, #tpu.memory_space<vmem>>)
      %scan3A_22 = arith.constant 0 : i32
      %scan3A_23 = arith.constant 0 : i32
      %scan3A_24 = arith.constant 8 : i32
      %scan3A_25 = arith.addi %scan3A_23, %scan3A_24 : i32
      %scan3A_26 = arith.constant 1 : i32
      %scan3A_27 = scf.for %scan3A_32 = %scan3A_23 to %scan3A_25 step %scan3A_26 iter_args(%scan3A_33 = %scan3A_22) -> (i32)  : i32 {
        %mul3A_34 = arith.constant 16 : i32
        %mul3A_35 = arith.muli %scan3A_32, %mul3A_34 : i32
        %iota3A = tpu.iota {dimensions = array<i32: 0>} : vector<16xi32>
        %add3A_36 = vector.broadcast %mul3A_35 : i32 to vector<16xi32>
        %add3A_37 = arith.addi %add3A_36, %iota3A : vector<16xi32>
        %mul3A_38 = arith.constant 16 : i32
        %mul3A_39 = arith.muli %scan3A_32, %mul3A_38 : i32
        %get3A = arith.index_cast %mul3A_39 : i32 to index
        %get3A_40 = tpu.vector_load %arg7[%get3A] {strides = array<i32>} : memref<128xi32, #tpu.memory_space<vmem>>, vector<16xi32>,
        %scan3A_41 = arith.constant 0 : i32
        %scan3A_42 = arith.constant 0 : i32
        %scan3A_43 = arith.constant 64 : i32
        %scan3A_44 = arith.addi %scan3A_42, %scan3A_43 : i32
        %scan3A_45 = arith.constant 1 : i32
        %scan3A_46 = scf.for %scan3A_49 = %scan3A_42 to %scan3A_44 step %scan3A_45 iter_args(%scan3A_50 = %scan3A_41) -> (i32)  : i32 {
          %add3A_51 = vector.broadcast %scan3A_49 : i32 to vector<16xi32>
          %add3A_52 = arith.addi %get3A_40, %add3A_51 : vector<16xi32>
          %gather3A = tpu.vector_load_idx %arg8[%add3A_37, %add3A_52] : memref<128x128xf32, #tpu.memory_space<vmem>>[vector<16xi32>, vector<16xi32>], vector<16xf32>,
          %mul3A_53 = arith.constant 16 : i32
          %mul3A_54 = arith.muli %scan3A_32, %mul3A_53 : i32
          %swap3A = arith.index_cast %scan3A_49 : i32 to index
          %swap3A_55 = arith.index_cast %mul3A_54 : i32 to index
          %swap3A_56 = tpu.vector_load %arg9[%swap3A, %swap3A_55] {strides = array<i32>} : memref<64x128xf32, #tpu.memory_space<vmem>>, vector<16xf32>,
          tpu.vector_store %arg9[%swap3A, %swap3A_55], %gather3A {strides = array<i32>} : memref<64x128xf32, #tpu.memory_space<vmem>>, vector<16xf32>,
          %scan3A_57 = arith.constant 0 : i32
          scf.yield %scan3A_57 : i32
        }
        %scan3A_47 = arith.constant 64 : i32
        %scan3A_48 = arith.constant 0 : i32
        scf.yield %scan3A_48 : i32
      }
      %scan3A_28 = arith.constant 8 : i32
      %mul3A_29 = arith.constant 64 : i32
      %mul3A_30 = arith.muli %scan3A_9, %mul3A_29 : i32
      "tpu.region"() ({
        %run_scoped3A = tpu.sem_alloc : memref<!tpu.dma_semaphore, #tpu.memory_space<semaphore_mem>>
        %dma_start3A_32 = tpu.memref_slice %arg4[%mul3A_30, %mul3A_2] : memref<448x4096xf32, #tpu.memory_space<hbm>> -> memref<64x128xf32, #tpu.memory_space<hbm>>
        %dma_start3A_33 = tpu.memref_slice %arg4[%mul3A_30, %mul3A_2] : memref<448x4096xf32, #tpu.memory_space<hbm>> -> memref<64x128xf32, #tpu.memory_space<hbm>>
        tpu.enqueue_dma source(%arg9 : memref<64x128xf32, #tpu.memory_space<vmem>>) target(%dma_start3A_33 : memref<64x128xf32, #tpu.memory_space<hbm>>) target_semaphore(%run_scoped3A : memref<!tpu.dma_semaphore, #tpu.memory_space<semaphore_mem>>)
        %dma_wait3A_34 = tpu.memref_slice %arg4[%mul3A_30, %mul3A_2] : memref<448x4096xf32, #tpu.memory_space<hbm>> -> memref<64x128xf32, #tpu.memory_space<hbm>>
        %dma_wait3A_35 = tpu.memref_slice %arg4[%mul3A_30, %mul3A_2] : memref<448x4096xf32, #tpu.memory_space<hbm>> -> memref<64x128xf32, #tpu.memory_space<hbm>>
        tpu.wait_dma2 semaphore(%run_scoped3A : memref<!tpu.dma_semaphore, #tpu.memory_space<semaphore_mem>>) src(%arg9 : memref<64x128xf32, #tpu.memory_space<vmem>>) dst(%dma_wait3A_35 : memref<64x128xf32, #tpu.memory_space<hbm>>)
        tpu.yield
      }) : () -> ()
      %scan3A_31 = arith.constant 0 : i32
      scf.yield %scan3A_31 : i32
    }
    %scan3A_8 = arith.constant 7 : i32
    return
  }
}

#map = affine_map<(d0, d1) -> (0, 0)>
module attributes {stable_mosaic.version = 14 : i64} {
  func.func @gather_kernel(%arg0: i32, %arg1: i32, %arg2: memref<6x4096xi32, #tpu.memory_space<hbm>>, %arg3: memref<329472x128xf32, #tpu.memory_space<hbm>>, %arg4: memref<384x4096xf32, #tpu.memory_space<hbm>>, %arg5: memref<6x128xi32, #tpu.memory_space<vmem>>, %arg6: memref<128xi32, #tpu.memory_space<vmem>>, %arg7: memref<128xi32, #tpu.memory_space<vmem>>, %arg8: memref<128x128xf32, #tpu.memory_space<vmem>>, %arg9: memref<64x128xf32, #tpu.memory_space<vmem>>, %arg10: memref<!tpu.dma_semaphore, #tpu.memory_space<semaphore_mem>>) attributes {dimension_semantics = [#tpu.dimension_semantics<core_parallel>, #tpu.dimension_semantics<subcore_parallel>], iteration_bounds = array<i64: 2, 16>, scalar_prefetch = 0 : i64, scratch_operands = 6 : i64, tpu.core_type = #tpu.core_type<sc_vector_subcore>, window_params = [{transform_indices = #map}, {transform_indices = #map}, {transform_indices = #map}]} {
    %mul3A = arith.constant 2 : i32
    %mul3A_0 = arith.muli %arg1, %mul3A : i32
    %add3A = arith.addi %mul3A_0, %arg0 : i32
    %mul3A_1 = arith.constant 128 : i32
    %mul3A_2 = arith.muli %add3A, %mul3A_1 : i32
    "tpu.region"() ({
      %run_scoped3A = tpu.sem_alloc : memref<!tpu.dma_semaphore, #tpu.memory_space<semaphore_mem>>
      %dma_start3A = arith.constant 0 : i32
      %dma_start3A_9 = tpu.memref_slice %arg2[%dma_start3A, %mul3A_2] : memref<6x4096xi32, #tpu.memory_space<hbm>> -> memref<6x128xi32, #tpu.memory_space<hbm>>
      %dma_start3A_10 = arith.constant 0 : i32
      %dma_start3A_11 = tpu.memref_slice %arg2[%dma_start3A_10, %mul3A_2] : memref<6x4096xi32, #tpu.memory_space<hbm>> -> memref<6x128xi32, #tpu.memory_space<hbm>>
      tpu.enqueue_dma source(%dma_start3A_11 : memref<6x128xi32, #tpu.memory_space<hbm>>) target(%arg5 : memref<6x128xi32, #tpu.memory_space<vmem>>) target_semaphore(%run_scoped3A : memref<!tpu.dma_semaphore, #tpu.memory_space<semaphore_mem>>)
      %dma_wait3A = arith.constant 0 : i32
      %dma_wait3A_12 = tpu.memref_slice %arg2[%dma_wait3A, %mul3A_2] : memref<6x4096xi32, #tpu.memory_space<hbm>> -> memref<6x128xi32, #tpu.memory_space<hbm>>
      %dma_wait3A_13 = arith.constant 0 : i32
      %dma_wait3A_14 = tpu.memref_slice %arg2[%dma_wait3A_13, %mul3A_2] : memref<6x4096xi32, #tpu.memory_space<hbm>> -> memref<6x128xi32, #tpu.memory_space<hbm>>
      tpu.wait_dma2 semaphore(%run_scoped3A : memref<!tpu.dma_semaphore, #tpu.memory_space<semaphore_mem>>) src(%dma_wait3A_14 : memref<6x128xi32, #tpu.memory_space<hbm>>) dst(%arg5 : memref<6x128xi32, #tpu.memory_space<vmem>>)
      tpu.yield
    }) : () -> ()
    %scan3A = arith.constant 0 : i32
    %scan3A_3 = arith.constant 0 : i32
    %scan3A_4 = arith.constant 6 : i32
    %scan3A_5 = arith.addi %scan3A_3, %scan3A_4 : i32
    %scan3A_6 = arith.constant 1 : i32
    %scan3A_7 = scf.for %scan3A_9 = %scan3A_3 to %scan3A_5 step %scan3A_6 iter_args(%scan3A_10 = %scan3A) -> (i32)  : i32 {
      %scan3A_11 = arith.constant 0 : i32
      %scan3A_12 = arith.constant 0 : i32
      %scan3A_13 = arith.constant 8 : i32
      %scan3A_14 = arith.addi %scan3A_12, %scan3A_13 : i32
      %scan3A_15 = arith.constant 1 : i32
      %scan3A_16 = scf.for %scan3A_32 = %scan3A_12 to %scan3A_14 step %scan3A_15 iter_args(%scan3A_33 = %scan3A_11) -> (i32)  : i32 {
        %mul3A_34 = arith.constant 16 : i32
        %mul3A_35 = arith.muli %scan3A_32, %mul3A_34 : i32
        %get3A = arith.index_cast %scan3A_9 : i32 to index
        %get3A_36 = arith.index_cast %mul3A_35 : i32 to index
        %get3A_37 = tpu.vector_load %arg5[%get3A, %get3A_36] {strides = array<i32>} : memref<6x128xi32, #tpu.memory_space<vmem>>, vector<16xi32>,
        %ge3A = arith.constant 49920 : i32
        %ge3A_38 = vector.broadcast %ge3A : i32 to vector<16xi32>
        %ge3A_39 = arith.cmpi sge, %get3A_37, %ge3A_38 : vector<16xi32>
        %convert_element_type3A = arith.extui %ge3A_39 : vector<16xi1> to vector<16xi32>
        %mul3A_40 = arith.constant 49920 : i32
        %mul3A_41 = vector.broadcast %mul3A_40 : i32 to vector<16xi32>
        %mul3A_42 = arith.muli %convert_element_type3A, %mul3A_41 : vector<16xi32>
        %sub3A = arith.subi %get3A_37, %mul3A_42 : vector<16xi32>
        %mul3A_43 = arith.constant 54912 : i32
        %mul3A_44 = arith.muli %scan3A_9, %mul3A_43 : i32
        %add3A_45 = vector.broadcast %mul3A_44 : i32 to vector<16xi32>
        %add3A_46 = arith.addi %sub3A, %add3A_45 : vector<16xi32>
        %mul3A_47 = arith.constant 16 : i32
        %mul3A_48 = arith.muli %scan3A_32, %mul3A_47 : i32
        %swap3A = arith.index_cast %mul3A_48 : i32 to index
        %swap3A_49 = tpu.vector_load %arg6[%swap3A] {strides = array<i32>} : memref<128xi32, #tpu.memory_space<vmem>>, vector<16xi32>,
        tpu.vector_store %arg6[%swap3A], %add3A_46 {strides = array<i32>} : memref<128xi32, #tpu.memory_space<vmem>>, vector<16xi32>,
        %mul3A_50 = arith.constant 64 : i32
        %mul3A_51 = vector.broadcast %mul3A_50 : i32 to vector<16xi32>
        %mul3A_52 = arith.muli %convert_element_type3A, %mul3A_51 : vector<16xi32>
        %mul3A_53 = arith.constant 16 : i32
        %mul3A_54 = arith.muli %scan3A_32, %mul3A_53 : i32
        %swap3A_55 = arith.index_cast %mul3A_54 : i32 to index
        %swap3A_56 = tpu.vector_load %arg7[%swap3A_55] {strides = array<i32>} : memref<128xi32, #tpu.memory_space<vmem>>, vector<16xi32>,
        tpu.vector_store %arg7[%swap3A_55], %mul3A_52 {strides = array<i32>} : memref<128xi32, #tpu.memory_space<vmem>>, vector<16xi32>,
        %scan3A_57 = arith.constant 0 : i32
        scf.yield %scan3A_57 : i32
      }
      %scan3A_17 = arith.constant 8 : i32
      %dma_start3A = arith.constant 0 : i32
      %dma_start3A_18 = arith.constant 0 : i32
      %dma_start3A_19 = tpu.memref_slice %arg3[%dma_start3A, %dma_start3A_18] : memref<329472x128xf32, #tpu.memory_space<hbm>> -> memref<329472x128xf32, #tpu.memory_space<hbm>>
      tpu.enqueue_indirect_dma source(%dma_start3A_19 : memref<329472x128xf32, #tpu.memory_space<hbm>>) target(%arg8 : memref<128x128xf32, #tpu.memory_space<vmem>>) offsets(%arg6 : memref<128xi32, #tpu.memory_space<vmem>>) semaphore(%arg10 : memref<!tpu.dma_semaphore, #tpu.memory_space<semaphore_mem>>)
      %dma_wait3A = arith.constant 0 : i32
      %dma_wait3A_20 = arith.constant 0 : i32
      %dma_wait3A_21 = tpu.memref_slice %arg3[%dma_wait3A, %dma_wait3A_20] : memref<329472x128xf32, #tpu.memory_space<hbm>> -> memref<329472x128xf32, #tpu.memory_space<hbm>>
      tpu.wait_indirect_dma semaphore(%arg10 : memref<!tpu.dma_semaphore, #tpu.memory_space<semaphore_mem>>) src(%dma_wait3A_21 : memref<329472x128xf32, #tpu.memory_space<hbm>>) dst(%arg8 : memref<128x128xf32, #tpu.memory_space<vmem>>)
      %scan3A_22 = arith.constant 0 : i32
      %scan3A_23 = arith.constant 0 : i32
      %scan3A_24 = arith.constant 8 : i32
      %scan3A_25 = arith.addi %scan3A_23, %scan3A_24 : i32
      %scan3A_26 = arith.constant 1 : i32
      %scan3A_27 = scf.for %scan3A_32 = %scan3A_23 to %scan3A_25 step %scan3A_26 iter_args(%scan3A_33 = %scan3A_22) -> (i32)  : i32 {
        %mul3A_34 = arith.constant 16 : i32
        %mul3A_35 = arith.muli %scan3A_32, %mul3A_34 : i32
        %iota3A = tpu.iota {dimensions = array<i32: 0>} : vector<16xi32>
        %add3A_36 = vector.broadcast %mul3A_35 : i32 to vector<16xi32>
        %add3A_37 = arith.addi %add3A_36, %iota3A : vector<16xi32>
        %mul3A_38 = arith.constant 16 : i32
        %mul3A_39 = arith.muli %scan3A_32, %mul3A_38 : i32
        %get3A = arith.index_cast %mul3A_39 : i32 to index
        %get3A_40 = tpu.vector_load %arg7[%get3A] {strides = array<i32>} : memref<128xi32, #tpu.memory_space<vmem>>, vector<16xi32>,
        %scan3A_41 = arith.constant 0 : i32
        %scan3A_42 = arith.constant 0 : i32
        %scan3A_43 = arith.constant 64 : i32
        %scan3A_44 = arith.addi %scan3A_42, %scan3A_43 : i32
        %scan3A_45 = arith.constant 1 : i32
        %scan3A_46 = scf.for %scan3A_49 = %scan3A_42 to %scan3A_44 step %scan3A_45 iter_args(%scan3A_50 = %scan3A_41) -> (i32)  : i32 {
          %add3A_51 = vector.broadcast %scan3A_49 : i32 to vector<16xi32>
          %add3A_52 = arith.addi %get3A_40, %add3A_51 : vector<16xi32>
          %gather3A = tpu.vector_load_idx %arg8[%add3A_37, %add3A_52] : memref<128x128xf32, #tpu.memory_space<vmem>>[vector<16xi32>, vector<16xi32>], vector<16xf32>,
          %mul3A_53 = arith.constant 16 : i32
          %mul3A_54 = arith.muli %scan3A_32, %mul3A_53 : i32
          %swap3A = arith.index_cast %scan3A_49 : i32 to index
          %swap3A_55 = arith.index_cast %mul3A_54 : i32 to index
          %swap3A_56 = tpu.vector_load %arg9[%swap3A, %swap3A_55] {strides = array<i32>} : memref<64x128xf32, #tpu.memory_space<vmem>>, vector<16xf32>,
          tpu.vector_store %arg9[%swap3A, %swap3A_55], %gather3A {strides = array<i32>} : memref<64x128xf32, #tpu.memory_space<vmem>>, vector<16xf32>,
          %scan3A_57 = arith.constant 0 : i32
          scf.yield %scan3A_57 : i32
        }
        %scan3A_47 = arith.constant 64 : i32
        %scan3A_48 = arith.constant 0 : i32
        scf.yield %scan3A_48 : i32
      }
      %scan3A_28 = arith.constant 8 : i32
      %mul3A_29 = arith.constant 64 : i32
      %mul3A_30 = arith.muli %scan3A_9, %mul3A_29 : i32
      "tpu.region"() ({
        %run_scoped3A = tpu.sem_alloc : memref<!tpu.dma_semaphore, #tpu.memory_space<semaphore_mem>>
        %dma_start3A_32 = tpu.memref_slice %arg4[%mul3A_30, %mul3A_2] : memref<384x4096xf32, #tpu.memory_space<hbm>> -> memref<64x128xf32, #tpu.memory_space<hbm>>
        %dma_start3A_33 = tpu.memref_slice %arg4[%mul3A_30, %mul3A_2] : memref<384x4096xf32, #tpu.memory_space<hbm>> -> memref<64x128xf32, #tpu.memory_space<hbm>>
        tpu.enqueue_dma source(%arg9 : memref<64x128xf32, #tpu.memory_space<vmem>>) target(%dma_start3A_33 : memref<64x128xf32, #tpu.memory_space<hbm>>) target_semaphore(%run_scoped3A : memref<!tpu.dma_semaphore, #tpu.memory_space<semaphore_mem>>)
        %dma_wait3A_34 = tpu.memref_slice %arg4[%mul3A_30, %mul3A_2] : memref<384x4096xf32, #tpu.memory_space<hbm>> -> memref<64x128xf32, #tpu.memory_space<hbm>>
        %dma_wait3A_35 = tpu.memref_slice %arg4[%mul3A_30, %mul3A_2] : memref<384x4096xf32, #tpu.memory_space<hbm>> -> memref<64x128xf32, #tpu.memory_space<hbm>>
        tpu.wait_dma2 semaphore(%run_scoped3A : memref<!tpu.dma_semaphore, #tpu.memory_space<semaphore_mem>>) src(%arg9 : memref<64x128xf32, #tpu.memory_space<vmem>>) dst(%dma_wait3A_35 : memref<64x128xf32, #tpu.memory_space<hbm>>)
        tpu.yield
      }) : () -> ()
      %scan3A_31 = arith.constant 0 : i32
      scf.yield %scan3A_31 : i32
    }
    %scan3A_8 = arith.constant 6 : i32
    return
  }
}

#map = affine_map<(d0, d1) -> (0, 0)>
module attributes {stable_mosaic.version = 14 : i64} {
  func.func @gather_kernel(%arg0: i32, %arg1: i32, %arg2: memref<6x4096xi32, #tpu.memory_space<hbm>>, %arg3: memref<329472x128xf32, #tpu.memory_space<hbm>>, %arg4: memref<384x4096xf32, #tpu.memory_space<hbm>>, %arg5: memref<6x128xi32, #tpu.memory_space<vmem>>, %arg6: memref<128xi32, #tpu.memory_space<vmem>>, %arg7: memref<128xi32, #tpu.memory_space<vmem>>, %arg8: memref<128x128xf32, #tpu.memory_space<vmem>>, %arg9: memref<64x128xf32, #tpu.memory_space<vmem>>, %arg10: memref<!tpu.dma_semaphore, #tpu.memory_space<semaphore_mem>>) attributes {dimension_semantics = [#tpu.dimension_semantics<core_parallel>, #tpu.dimension_semantics<subcore_parallel>], iteration_bounds = array<i64: 2, 16>, scalar_prefetch = 0 : i64, scratch_operands = 6 : i64, tpu.core_type = #tpu.core_type<sc_vector_subcore>, window_params = [{transform_indices = #map}, {transform_indices = #map}, {transform_indices = #map}]} {
    %mul3A = arith.constant 2 : i32
    %mul3A_0 = arith.muli %arg1, %mul3A : i32
    %add3A = arith.addi %mul3A_0, %arg0 : i32
    %mul3A_1 = arith.constant 128 : i32
    %mul3A_2 = arith.muli %add3A, %mul3A_1 : i32
    "tpu.region"() ({
      %run_scoped3A = tpu.sem_alloc : memref<!tpu.dma_semaphore, #tpu.memory_space<semaphore_mem>>
      %dma_start3A = arith.constant 0 : i32
      %dma_start3A_9 = tpu.memref_slice %arg2[%dma_start3A, %mul3A_2] : memref<6x4096xi32, #tpu.memory_space<hbm>> -> memref<6x128xi32, #tpu.memory_space<hbm>>
      %dma_start3A_10 = arith.constant 0 : i32
      %dma_start3A_11 = tpu.memref_slice %arg2[%dma_start3A_10, %mul3A_2] : memref<6x4096xi32, #tpu.memory_space<hbm>> -> memref<6x128xi32, #tpu.memory_space<hbm>>
      tpu.enqueue_dma source(%dma_start3A_11 : memref<6x128xi32, #tpu.memory_space<hbm>>) target(%arg5 : memref<6x128xi32, #tpu.memory_space<vmem>>) target_semaphore(%run_scoped3A : memref<!tpu.dma_semaphore, #tpu.memory_space<semaphore_mem>>)
      %dma_wait3A = arith.constant 0 : i32
      %dma_wait3A_12 = tpu.memref_slice %arg2[%dma_wait3A, %mul3A_2] : memref<6x4096xi32, #tpu.memory_space<hbm>> -> memref<6x128xi32, #tpu.memory_space<hbm>>
      %dma_wait3A_13 = arith.constant 0 : i32
      %dma_wait3A_14 = tpu.memref_slice %arg2[%dma_wait3A_13, %mul3A_2] : memref<6x4096xi32, #tpu.memory_space<hbm>> -> memref<6x128xi32, #tpu.memory_space<hbm>>
      tpu.wait_dma2 semaphore(%run_scoped3A : memref<!tpu.dma_semaphore, #tpu.memory_space<semaphore_mem>>) src(%dma_wait3A_14 : memref<6x128xi32, #tpu.memory_space<hbm>>) dst(%arg5 : memref<6x128xi32, #tpu.memory_space<vmem>>)
      tpu.yield
    }) : () -> ()
    %scan3A = arith.constant 0 : i32
    %scan3A_3 = arith.constant 0 : i32
    %scan3A_4 = arith.constant 6 : i32
    %scan3A_5 = arith.addi %scan3A_3, %scan3A_4 : i32
    %scan3A_6 = arith.constant 1 : i32
    %scan3A_7 = scf.for %scan3A_9 = %scan3A_3 to %scan3A_5 step %scan3A_6 iter_args(%scan3A_10 = %scan3A) -> (i32)  : i32 {
      %scan3A_11 = arith.constant 0 : i32
      %scan3A_12 = arith.constant 0 : i32
      %scan3A_13 = arith.constant 8 : i32
      %scan3A_14 = arith.addi %scan3A_12, %scan3A_13 : i32
      %scan3A_15 = arith.constant 1 : i32
      %scan3A_16 = scf.for %scan3A_32 = %scan3A_12 to %scan3A_14 step %scan3A_15 iter_args(%scan3A_33 = %scan3A_11) -> (i32)  : i32 {
        %mul3A_34 = arith.constant 16 : i32
        %mul3A_35 = arith.muli %scan3A_32, %mul3A_34 : i32
        %get3A = arith.index_cast %scan3A_9 : i32 to index
        %get3A_36 = arith.index_cast %mul3A_35 : i32 to index
        %get3A_37 = tpu.vector_load %arg5[%get3A, %get3A_36] {strides = array<i32>} : memref<6x128xi32, #tpu.memory_space<vmem>>, vector<16xi32>,
        %ge3A = arith.constant 49920 : i32
        %ge3A_38 = vector.broadcast %ge3A : i32 to vector<16xi32>
        %ge3A_39 = arith.cmpi sge, %get3A_37, %ge3A_38 : vector<16xi32>
        %convert_element_type3A = arith.extui %ge3A_39 : vector<16xi1> to vector<16xi32>
        %mul3A_40 = arith.constant 49920 : i32
        %mul3A_41 = vector.broadcast %mul3A_40 : i32 to vector<16xi32>
        %mul3A_42 = arith.muli %convert_element_type3A, %mul3A_41 : vector<16xi32>
        %sub3A = arith.subi %get3A_37, %mul3A_42 : vector<16xi32>
        %mul3A_43 = arith.constant 54912 : i32
        %mul3A_44 = arith.muli %scan3A_9, %mul3A_43 : i32
        %add3A_45 = vector.broadcast %mul3A_44 : i32 to vector<16xi32>
        %add3A_46 = arith.addi %sub3A, %add3A_45 : vector<16xi32>
        %mul3A_47 = arith.constant 16 : i32
        %mul3A_48 = arith.muli %scan3A_32, %mul3A_47 : i32
        %swap3A = arith.index_cast %mul3A_48 : i32 to index
        %swap3A_49 = tpu.vector_load %arg6[%swap3A] {strides = array<i32>} : memref<128xi32, #tpu.memory_space<vmem>>, vector<16xi32>,
        tpu.vector_store %arg6[%swap3A], %add3A_46 {strides = array<i32>} : memref<128xi32, #tpu.memory_space<vmem>>, vector<16xi32>,
        %mul3A_50 = arith.constant 64 : i32
        %mul3A_51 = vector.broadcast %mul3A_50 : i32 to vector<16xi32>
        %mul3A_52 = arith.muli %convert_element_type3A, %mul3A_51 : vector<16xi32>
        %mul3A_53 = arith.constant 16 : i32
        %mul3A_54 = arith.muli %scan3A_32, %mul3A_53 : i32
        %swap3A_55 = arith.index_cast %mul3A_54 : i32 to index
        %swap3A_56 = tpu.vector_load %arg7[%swap3A_55] {strides = array<i32>} : memref<128xi32, #tpu.memory_space<vmem>>, vector<16xi32>,
        tpu.vector_store %arg7[%swap3A_55], %mul3A_52 {strides = array<i32>} : memref<128xi32, #tpu.memory_space<vmem>>, vector<16xi32>,
        %scan3A_57 = arith.constant 0 : i32
        scf.yield %scan3A_57 : i32
      }
      %scan3A_17 = arith.constant 8 : i32
      %dma_start3A = arith.constant 0 : i32
      %dma_start3A_18 = arith.constant 0 : i32
      %dma_start3A_19 = tpu.memref_slice %arg3[%dma_start3A, %dma_start3A_18] : memref<329472x128xf32, #tpu.memory_space<hbm>> -> memref<329472x128xf32, #tpu.memory_space<hbm>>
      tpu.enqueue_indirect_dma source(%dma_start3A_19 : memref<329472x128xf32, #tpu.memory_space<hbm>>) target(%arg8 : memref<128x128xf32, #tpu.memory_space<vmem>>) offsets(%arg6 : memref<128xi32, #tpu.memory_space<vmem>>) semaphore(%arg10 : memref<!tpu.dma_semaphore, #tpu.memory_space<semaphore_mem>>)
      %dma_wait3A = arith.constant 0 : i32
      %dma_wait3A_20 = arith.constant 0 : i32
      %dma_wait3A_21 = tpu.memref_slice %arg3[%dma_wait3A, %dma_wait3A_20] : memref<329472x128xf32, #tpu.memory_space<hbm>> -> memref<329472x128xf32, #tpu.memory_space<hbm>>
      tpu.wait_indirect_dma semaphore(%arg10 : memref<!tpu.dma_semaphore, #tpu.memory_space<semaphore_mem>>) src(%dma_wait3A_21 : memref<329472x128xf32, #tpu.memory_space<hbm>>) dst(%arg8 : memref<128x128xf32, #tpu.memory_space<vmem>>)
      %scan3A_22 = arith.constant 0 : i32
      %scan3A_23 = arith.constant 0 : i32
      %scan3A_24 = arith.constant 8 : i32
      %scan3A_25 = arith.addi %scan3A_23, %scan3A_24 : i32
      %scan3A_26 = arith.constant 1 : i32
      %scan3A_27 = scf.for %scan3A_32 = %scan3A_23 to %scan3A_25 step %scan3A_26 iter_args(%scan3A_33 = %scan3A_22) -> (i32)  : i32 {
        %mul3A_34 = arith.constant 16 : i32
        %mul3A_35 = arith.muli %scan3A_32, %mul3A_34 : i32
        %iota3A = tpu.iota {dimensions = array<i32: 0>} : vector<16xi32>
        %add3A_36 = vector.broadcast %mul3A_35 : i32 to vector<16xi32>
        %add3A_37 = arith.addi %add3A_36, %iota3A : vector<16xi32>
        %mul3A_38 = arith.constant 16 : i32
        %mul3A_39 = arith.muli %scan3A_32, %mul3A_38 : i32
        %get3A = arith.index_cast %mul3A_39 : i32 to index
        %get3A_40 = tpu.vector_load %arg7[%get3A] {strides = array<i32>} : memref<128xi32, #tpu.memory_space<vmem>>, vector<16xi32>,
        %scan3A_41 = arith.constant 0 : i32
        %scan3A_42 = arith.constant 0 : i32
        %scan3A_43 = arith.constant 64 : i32
        %scan3A_44 = arith.addi %scan3A_42, %scan3A_43 : i32
        %scan3A_45 = arith.constant 1 : i32
        %scan3A_46 = scf.for %scan3A_49 = %scan3A_42 to %scan3A_44 step %scan3A_45 iter_args(%scan3A_50 = %scan3A_41) -> (i32)  : i32 {
          %add3A_51 = vector.broadcast %scan3A_49 : i32 to vector<16xi32>
          %add3A_52 = arith.addi %get3A_40, %add3A_51 : vector<16xi32>
          %gather3A = tpu.vector_load_idx %arg8[%add3A_37, %add3A_52] : memref<128x128xf32, #tpu.memory_space<vmem>>[vector<16xi32>, vector<16xi32>], vector<16xf32>,
          %mul3A_53 = arith.constant 16 : i32
          %mul3A_54 = arith.muli %scan3A_32, %mul3A_53 : i32
          %swap3A = arith.index_cast %scan3A_49 : i32 to index
          %swap3A_55 = arith.index_cast %mul3A_54 : i32 to index
          %swap3A_56 = tpu.vector_load %arg9[%swap3A, %swap3A_55] {strides = array<i32>} : memref<64x128xf32, #tpu.memory_space<vmem>>, vector<16xf32>,
          tpu.vector_store %arg9[%swap3A, %swap3A_55], %gather3A {strides = array<i32>} : memref<64x128xf32, #tpu.memory_space<vmem>>, vector<16xf32>,
          %scan3A_57 = arith.constant 0 : i32
          scf.yield %scan3A_57 : i32
        }
        %scan3A_47 = arith.constant 64 : i32
        %scan3A_48 = arith.constant 0 : i32
        scf.yield %scan3A_48 : i32
      }
      %scan3A_28 = arith.constant 8 : i32
      %mul3A_29 = arith.constant 64 : i32
      %mul3A_30 = arith.muli %scan3A_9, %mul3A_29 : i32
      "tpu.region"() ({
        %run_scoped3A = tpu.sem_alloc : memref<!tpu.dma_semaphore, #tpu.memory_space<semaphore_mem>>
        %dma_start3A_32 = tpu.memref_slice %arg4[%mul3A_30, %mul3A_2] : memref<384x4096xf32, #tpu.memory_space<hbm>> -> memref<64x128xf32, #tpu.memory_space<hbm>>
        %dma_start3A_33 = tpu.memref_slice %arg4[%mul3A_30, %mul3A_2] : memref<384x4096xf32, #tpu.memory_space<hbm>> -> memref<64x128xf32, #tpu.memory_space<hbm>>
        tpu.enqueue_dma source(%arg9 : memref<64x128xf32, #tpu.memory_space<vmem>>) target(%dma_start3A_33 : memref<64x128xf32, #tpu.memory_space<hbm>>) target_semaphore(%run_scoped3A : memref<!tpu.dma_semaphore, #tpu.memory_space<semaphore_mem>>)
        %dma_wait3A_34 = tpu.memref_slice %arg4[%mul3A_30, %mul3A_2] : memref<384x4096xf32, #tpu.memory_space<hbm>> -> memref<64x128xf32, #tpu.memory_space<hbm>>
        %dma_wait3A_35 = tpu.memref_slice %arg4[%mul3A_30, %mul3A_2] : memref<384x4096xf32, #tpu.memory_space<hbm>> -> memref<64x128xf32, #tpu.memory_space<hbm>>
        tpu.wait_dma2 semaphore(%run_scoped3A : memref<!tpu.dma_semaphore, #tpu.memory_space<semaphore_mem>>) src(%arg9 : memref<64x128xf32, #tpu.memory_space<vmem>>) dst(%dma_wait3A_35 : memref<64x128xf32, #tpu.memory_space<hbm>>)
        tpu.yield
      }) : () -> ()
      %scan3A_31 = arith.constant 0 : i32
      scf.yield %scan3A_31 : i32
    }
    %scan3A_8 = arith.constant 6 : i32
    return
  }
}

#map = affine_map<(d0, d1) -> (0, 0)>
module attributes {stable_mosaic.version = 14 : i64} {
  func.func @gather_kernel(%arg0: i32, %arg1: i32, %arg2: memref<7x4096xi32, #tpu.memory_space<hbm>>, %arg3: memref<384384x128xf32, #tpu.memory_space<hbm>>, %arg4: memref<448x4096xf32, #tpu.memory_space<hbm>>, %arg5: memref<7x128xi32, #tpu.memory_space<vmem>>, %arg6: memref<128xi32, #tpu.memory_space<vmem>>, %arg7: memref<128xi32, #tpu.memory_space<vmem>>, %arg8: memref<128x128xf32, #tpu.memory_space<vmem>>, %arg9: memref<64x128xf32, #tpu.memory_space<vmem>>, %arg10: memref<!tpu.dma_semaphore, #tpu.memory_space<semaphore_mem>>) attributes {dimension_semantics = [#tpu.dimension_semantics<core_parallel>, #tpu.dimension_semantics<subcore_parallel>], iteration_bounds = array<i64: 2, 16>, scalar_prefetch = 0 : i64, scratch_operands = 6 : i64, tpu.core_type = #tpu.core_type<sc_vector_subcore>, window_params = [{transform_indices = #map}, {transform_indices = #map}, {transform_indices = #map}]} {
    %mul3A = arith.constant 2 : i32
    %mul3A_0 = arith.muli %arg1, %mul3A : i32
    %add3A = arith.addi %mul3A_0, %arg0 : i32
    %mul3A_1 = arith.constant 128 : i32
    %mul3A_2 = arith.muli %add3A, %mul3A_1 : i32
    "tpu.region"() ({
      %run_scoped3A = tpu.sem_alloc : memref<!tpu.dma_semaphore, #tpu.memory_space<semaphore_mem>>
      %dma_start3A = arith.constant 0 : i32
      %dma_start3A_9 = tpu.memref_slice %arg2[%dma_start3A, %mul3A_2] : memref<7x4096xi32, #tpu.memory_space<hbm>> -> memref<7x128xi32, #tpu.memory_space<hbm>>
      %dma_start3A_10 = arith.constant 0 : i32
      %dma_start3A_11 = tpu.memref_slice %arg2[%dma_start3A_10, %mul3A_2] : memref<7x4096xi32, #tpu.memory_space<hbm>> -> memref<7x128xi32, #tpu.memory_space<hbm>>
      tpu.enqueue_dma source(%dma_start3A_11 : memref<7x128xi32, #tpu.memory_space<hbm>>) target(%arg5 : memref<7x128xi32, #tpu.memory_space<vmem>>) target_semaphore(%run_scoped3A : memref<!tpu.dma_semaphore, #tpu.memory_space<semaphore_mem>>)
      %dma_wait3A = arith.constant 0 : i32
      %dma_wait3A_12 = tpu.memref_slice %arg2[%dma_wait3A, %mul3A_2] : memref<7x4096xi32, #tpu.memory_space<hbm>> -> memref<7x128xi32, #tpu.memory_space<hbm>>
      %dma_wait3A_13 = arith.constant 0 : i32
      %dma_wait3A_14 = tpu.memref_slice %arg2[%dma_wait3A_13, %mul3A_2] : memref<7x4096xi32, #tpu.memory_space<hbm>> -> memref<7x128xi32, #tpu.memory_space<hbm>>
      tpu.wait_dma2 semaphore(%run_scoped3A : memref<!tpu.dma_semaphore, #tpu.memory_space<semaphore_mem>>) src(%dma_wait3A_14 : memref<7x128xi32, #tpu.memory_space<hbm>>) dst(%arg5 : memref<7x128xi32, #tpu.memory_space<vmem>>)
      tpu.yield
    }) : () -> ()
    %scan3A = arith.constant 0 : i32
    %scan3A_3 = arith.constant 0 : i32
    %scan3A_4 = arith.constant 7 : i32
    %scan3A_5 = arith.addi %scan3A_3, %scan3A_4 : i32
    %scan3A_6 = arith.constant 1 : i32
    %scan3A_7 = scf.for %scan3A_9 = %scan3A_3 to %scan3A_5 step %scan3A_6 iter_args(%scan3A_10 = %scan3A) -> (i32)  : i32 {
      %scan3A_11 = arith.constant 0 : i32
      %scan3A_12 = arith.constant 0 : i32
      %scan3A_13 = arith.constant 8 : i32
      %scan3A_14 = arith.addi %scan3A_12, %scan3A_13 : i32
      %scan3A_15 = arith.constant 1 : i32
      %scan3A_16 = scf.for %scan3A_32 = %scan3A_12 to %scan3A_14 step %scan3A_15 iter_args(%scan3A_33 = %scan3A_11) -> (i32)  : i32 {
        %mul3A_34 = arith.constant 16 : i32
        %mul3A_35 = arith.muli %scan3A_32, %mul3A_34 : i32
        %get3A = arith.index_cast %scan3A_9 : i32 to index
        %get3A_36 = arith.index_cast %mul3A_35 : i32 to index
        %get3A_37 = tpu.vector_load %arg5[%get3A, %get3A_36] {strides = array<i32>} : memref<7x128xi32, #tpu.memory_space<vmem>>, vector<16xi32>,
        %ge3A = arith.constant 49920 : i32
        %ge3A_38 = vector.broadcast %ge3A : i32 to vector<16xi32>
        %ge3A_39 = arith.cmpi sge, %get3A_37, %ge3A_38 : vector<16xi32>
        %convert_element_type3A = arith.extui %ge3A_39 : vector<16xi1> to vector<16xi32>
        %mul3A_40 = arith.constant 49920 : i32
        %mul3A_41 = vector.broadcast %mul3A_40 : i32 to vector<16xi32>
        %mul3A_42 = arith.muli %convert_element_type3A, %mul3A_41 : vector<16xi32>
        %sub3A = arith.subi %get3A_37, %mul3A_42 : vector<16xi32>
        %mul3A_43 = arith.constant 54912 : i32
        %mul3A_44 = arith.muli %scan3A_9, %mul3A_43 : i32
        %add3A_45 = vector.broadcast %mul3A_44 : i32 to vector<16xi32>
        %add3A_46 = arith.addi %sub3A, %add3A_45 : vector<16xi32>
        %mul3A_47 = arith.constant 16 : i32
        %mul3A_48 = arith.muli %scan3A_32, %mul3A_47 : i32
        %swap3A = arith.index_cast %mul3A_48 : i32 to index
        %swap3A_49 = tpu.vector_load %arg6[%swap3A] {strides = array<i32>} : memref<128xi32, #tpu.memory_space<vmem>>, vector<16xi32>,
        tpu.vector_store %arg6[%swap3A], %add3A_46 {strides = array<i32>} : memref<128xi32, #tpu.memory_space<vmem>>, vector<16xi32>,
        %mul3A_50 = arith.constant 64 : i32
        %mul3A_51 = vector.broadcast %mul3A_50 : i32 to vector<16xi32>
        %mul3A_52 = arith.muli %convert_element_type3A, %mul3A_51 : vector<16xi32>
        %mul3A_53 = arith.constant 16 : i32
        %mul3A_54 = arith.muli %scan3A_32, %mul3A_53 : i32
        %swap3A_55 = arith.index_cast %mul3A_54 : i32 to index
        %swap3A_56 = tpu.vector_load %arg7[%swap3A_55] {strides = array<i32>} : memref<128xi32, #tpu.memory_space<vmem>>, vector<16xi32>,
        tpu.vector_store %arg7[%swap3A_55], %mul3A_52 {strides = array<i32>} : memref<128xi32, #tpu.memory_space<vmem>>, vector<16xi32>,
        %scan3A_57 = arith.constant 0 : i32
        scf.yield %scan3A_57 : i32
      }
      %scan3A_17 = arith.constant 8 : i32
      %dma_start3A = arith.constant 0 : i32
      %dma_start3A_18 = arith.constant 0 : i32
      %dma_start3A_19 = tpu.memref_slice %arg3[%dma_start3A, %dma_start3A_18] : memref<384384x128xf32, #tpu.memory_space<hbm>> -> memref<384384x128xf32, #tpu.memory_space<hbm>>
      tpu.enqueue_indirect_dma source(%dma_start3A_19 : memref<384384x128xf32, #tpu.memory_space<hbm>>) target(%arg8 : memref<128x128xf32, #tpu.memory_space<vmem>>) offsets(%arg6 : memref<128xi32, #tpu.memory_space<vmem>>) semaphore(%arg10 : memref<!tpu.dma_semaphore, #tpu.memory_space<semaphore_mem>>)
      %dma_wait3A = arith.constant 0 : i32
      %dma_wait3A_20 = arith.constant 0 : i32
      %dma_wait3A_21 = tpu.memref_slice %arg3[%dma_wait3A, %dma_wait3A_20] : memref<384384x128xf32, #tpu.memory_space<hbm>> -> memref<384384x128xf32, #tpu.memory_space<hbm>>
      tpu.wait_indirect_dma semaphore(%arg10 : memref<!tpu.dma_semaphore, #tpu.memory_space<semaphore_mem>>) src(%dma_wait3A_21 : memref<384384x128xf32, #tpu.memory_space<hbm>>) dst(%arg8 : memref<128x128xf32, #tpu.memory_space<vmem>>)
      %scan3A_22 = arith.constant 0 : i32
      %scan3A_23 = arith.constant 0 : i32
      %scan3A_24 = arith.constant 8 : i32
      %scan3A_25 = arith.addi %scan3A_23, %scan3A_24 : i32
      %scan3A_26 = arith.constant 1 : i32
      %scan3A_27 = scf.for %scan3A_32 = %scan3A_23 to %scan3A_25 step %scan3A_26 iter_args(%scan3A_33 = %scan3A_22) -> (i32)  : i32 {
        %mul3A_34 = arith.constant 16 : i32
        %mul3A_35 = arith.muli %scan3A_32, %mul3A_34 : i32
        %iota3A = tpu.iota {dimensions = array<i32: 0>} : vector<16xi32>
        %add3A_36 = vector.broadcast %mul3A_35 : i32 to vector<16xi32>
        %add3A_37 = arith.addi %add3A_36, %iota3A : vector<16xi32>
        %mul3A_38 = arith.constant 16 : i32
        %mul3A_39 = arith.muli %scan3A_32, %mul3A_38 : i32
        %get3A = arith.index_cast %mul3A_39 : i32 to index
        %get3A_40 = tpu.vector_load %arg7[%get3A] {strides = array<i32>} : memref<128xi32, #tpu.memory_space<vmem>>, vector<16xi32>,
        %scan3A_41 = arith.constant 0 : i32
        %scan3A_42 = arith.constant 0 : i32
        %scan3A_43 = arith.constant 64 : i32
        %scan3A_44 = arith.addi %scan3A_42, %scan3A_43 : i32
        %scan3A_45 = arith.constant 1 : i32
        %scan3A_46 = scf.for %scan3A_49 = %scan3A_42 to %scan3A_44 step %scan3A_45 iter_args(%scan3A_50 = %scan3A_41) -> (i32)  : i32 {
          %add3A_51 = vector.broadcast %scan3A_49 : i32 to vector<16xi32>
          %add3A_52 = arith.addi %get3A_40, %add3A_51 : vector<16xi32>
          %gather3A = tpu.vector_load_idx %arg8[%add3A_37, %add3A_52] : memref<128x128xf32, #tpu.memory_space<vmem>>[vector<16xi32>, vector<16xi32>], vector<16xf32>,
          %mul3A_53 = arith.constant 16 : i32
          %mul3A_54 = arith.muli %scan3A_32, %mul3A_53 : i32
          %swap3A = arith.index_cast %scan3A_49 : i32 to index
          %swap3A_55 = arith.index_cast %mul3A_54 : i32 to index
          %swap3A_56 = tpu.vector_load %arg9[%swap3A, %swap3A_55] {strides = array<i32>} : memref<64x128xf32, #tpu.memory_space<vmem>>, vector<16xf32>,
          tpu.vector_store %arg9[%swap3A, %swap3A_55], %gather3A {strides = array<i32>} : memref<64x128xf32, #tpu.memory_space<vmem>>, vector<16xf32>,
          %scan3A_57 = arith.constant 0 : i32
          scf.yield %scan3A_57 : i32
        }
        %scan3A_47 = arith.constant 64 : i32
        %scan3A_48 = arith.constant 0 : i32
        scf.yield %scan3A_48 : i32
      }
      %scan3A_28 = arith.constant 8 : i32
      %mul3A_29 = arith.constant 64 : i32
      %mul3A_30 = arith.muli %scan3A_9, %mul3A_29 : i32
      "tpu.region"() ({
        %run_scoped3A = tpu.sem_alloc : memref<!tpu.dma_semaphore, #tpu.memory_space<semaphore_mem>>
        %dma_start3A_32 = tpu.memref_slice %arg4[%mul3A_30, %mul3A_2] : memref<448x4096xf32, #tpu.memory_space<hbm>> -> memref<64x128xf32, #tpu.memory_space<hbm>>
        %dma_start3A_33 = tpu.memref_slice %arg4[%mul3A_30, %mul3A_2] : memref<448x4096xf32, #tpu.memory_space<hbm>> -> memref<64x128xf32, #tpu.memory_space<hbm>>
        tpu.enqueue_dma source(%arg9 : memref<64x128xf32, #tpu.memory_space<vmem>>) target(%dma_start3A_33 : memref<64x128xf32, #tpu.memory_space<hbm>>) target_semaphore(%run_scoped3A : memref<!tpu.dma_semaphore, #tpu.memory_space<semaphore_mem>>)
        %dma_wait3A_34 = tpu.memref_slice %arg4[%mul3A_30, %mul3A_2] : memref<448x4096xf32, #tpu.memory_space<hbm>> -> memref<64x128xf32, #tpu.memory_space<hbm>>
        %dma_wait3A_35 = tpu.memref_slice %arg4[%mul3A_30, %mul3A_2] : memref<448x4096xf32, #tpu.memory_space<hbm>> -> memref<64x128xf32, #tpu.memory_space<hbm>>
        tpu.wait_dma2 semaphore(%run_scoped3A : memref<!tpu.dma_semaphore, #tpu.memory_space<semaphore_mem>>) src(%arg9 : memref<64x128xf32, #tpu.memory_space<vmem>>) dst(%dma_wait3A_35 : memref<64x128xf32, #tpu.memory_space<hbm>>)
        tpu.yield
      }) : () -> ()
      %scan3A_31 = arith.constant 0 : i32
      scf.yield %scan3A_31 : i32
    }
    %scan3A_8 = arith.constant 7 : i32
    return
  }
}

module attributes {stable_mosaic.version = 14 : i64} {
  func.func @body(%arg0: i32, %arg1: i32, %arg2: memref<1x64x4992xf32, #tpu.memory_space<vmem>>, %arg3: memref<1x64x4992xf32, #tpu.memory_space<vmem>>, %arg4: memref<64x64xf32, #tpu.memory_space<vmem>>, %arg5: memref<1x128xf32, #tpu.memory_space<vmem>>, %arg6: memref<4992x128xf32, #tpu.memory_space<vmem>>) attributes {dimension_semantics = [#tpu.dimension_semantics<arbitrary>, #tpu.dimension_semantics<arbitrary>], iteration_bounds = array<i64: 7, 11>, scalar_prefetch = 0 : i64, scratch_operands = 0 : i64, tpu.core_type = #tpu.core_type<tc>, window_params = [{transform_indices = @transform_0, window_bounds = array<i64: 1, 64, 4992>}, {transform_indices = @transform_1, window_bounds = array<i64: 1, 64, 4992>}, {pipeline_mode = #tpu.pipeline_mode<synchronous>, transform_indices = @transform_2, window_bounds = array<i64: 64, 64>}, {pipeline_mode = #tpu.pipeline_mode<synchronous>, transform_indices = @transform_3, window_bounds = array<i64: 1, 128>}, {transform_indices = @transform_4, window_bounds = array<i64: 4992, 128>}]} {
    %get3A = arith.constant 0 : index
    %get3A_0 = arith.constant 0 : index
    %get3A_1 = arith.constant 0 : index
    %get3A_2 = vector.load %arg2[%get3A, %get3A_0, %get3A_1] : memref<1x64x4992xf32, #tpu.memory_space<vmem>>, vector<1x64x4992xf32>
    %get3A_3 = vector.shape_cast %get3A_2 : vector<1x64x4992xf32> to vector<64x4992xf32>
    %get3A_4 = arith.constant 0 : index
    %get3A_5 = arith.constant 0 : index
    %get3A_6 = vector.load %arg4[%get3A_4, %get3A_5] : memref<64x64xf32, #tpu.memory_space<vmem>>, vector<64x64xf32>
    %dot_general3A = arith.constant dense<0.000000e+00> : vector<4992x64xf32>
    %dot_general3A_7 = tpu.matmul %get3A_3, %get3A_6, %dot_general3A {dimension_numbers = #tpu.dot_dimension_numbers<[0], [1], [1], [0], [0, 1, 1, 0], [], []>, transpose_lhs_hint = false} : vector<64x4992xf32>, vector<64x64xf32>, vector<4992x64xf32> -> vector<4992x64xf32>
    %get3A_8 = arith.constant 0 : index
    %get3A_9 = arith.constant 0 : index
    %get3A_10 = arith.constant 0 : index
    %get3A_11 = vector.load %arg3[%get3A_8, %get3A_9, %get3A_10] : memref<1x64x4992xf32, #tpu.memory_space<vmem>>, vector<1x64x4992xf32>
    %get3A_12 = vector.shape_cast %get3A_11 : vector<1x64x4992xf32> to vector<64x4992xf32>
    %get3A_13 = arith.constant 0 : index
    %get3A_14 = arith.constant 0 : index
    %get3A_15 = vector.load %arg4[%get3A_13, %get3A_14] : memref<64x64xf32, #tpu.memory_space<vmem>>, vector<64x64xf32>
    %dot_general3A_16 = arith.constant dense<0.000000e+00> : vector<4992x64xf32>
    %dot_general3A_17 = tpu.matmul %get3A_12, %get3A_15, %dot_general3A_16 {dimension_numbers = #tpu.dot_dimension_numbers<[0], [1], [1], [0], [0, 1, 1, 0], [], []>, transpose_lhs_hint = false} : vector<64x4992xf32>, vector<64x64xf32>, vector<4992x64xf32> -> vector<4992x64xf32>
    %concatenate3A = tpu.concatenate %dot_general3A_7, %dot_general3A_17 in 1 : vector<4992x64xf32>, vector<4992x64xf32> -> vector<4992x128xf32>
    %get3A_18 = arith.constant 0 : index
    %get3A_19 = arith.constant 0 : index
    %get3A_20 = vector.load %arg5[%get3A_18, %get3A_19] : memref<1x128xf32, #tpu.memory_space<vmem>>, vector<1x128xf32>
    %add3A = vector.broadcast %get3A_20 : vector<1x128xf32> to vector<4992x128xf32>
    %add3A_21 = arith.addf %concatenate3A, %add3A : vector<4992x128xf32>
    %swap3A = arith.constant 0 : index
    %swap3A_22 = arith.constant 0 : index
    %swap3A_23 = vector.load %arg6[%swap3A, %swap3A_22] : memref<4992x128xf32, #tpu.memory_space<vmem>>, vector<4992x128xf32>
    tpu.vector_store %arg6[%swap3A, %swap3A_22], %add3A_21 {strides = array<i32>} : memref<4992x128xf32, #tpu.memory_space<vmem>>, vector<4992x128xf32>,
    return
  }
  func.func @transform_0(%arg0: i32, %arg1: i32) -> (i32, i32, i32) {
    %add3A = arith.constant 7 : i32
    %add3A_0 = arith.addi %add3A, %arg0 : i32
    %min3A = arith.constant 9 : i32
    %min3A_1 = arith.minsi %arg1, %min3A : i32
    %c0_i32 = arith.constant 0 : i32
    %c0_i32_2 = arith.constant 0 : i32
    return %add3A_0, %c0_i32, %min3A_1 : i32, i32, i32
  }
  func.func @transform_1(%arg0: i32, %arg1: i32) -> (i32, i32, i32) {
    %add3A = arith.constant 7 : i32
    %add3A_0 = arith.addi %add3A, %arg0 : i32
    %add3A_1 = arith.constant 10 : i32
    %add3A_2 = arith.addi %arg1, %add3A_1 : i32
    %c0_i32 = arith.constant 0 : i32
    %c0_i32_3 = arith.constant 0 : i32
    return %add3A_0, %c0_i32, %add3A_2 : i32, i32, i32
  }
  func.func @transform_2(%arg0: i32, %arg1: i32) -> (i32, i32) {
    %c0_i32 = arith.constant 0 : i32
    %c0_i32_0 = arith.constant 0 : i32
    %c0_i32_1 = arith.constant 0 : i32
    return %c0_i32, %c0_i32_0 : i32, i32
  }
  func.func @transform_3(%arg0: i32, %arg1: i32) -> (i32, i32) {
    %c0_i32 = arith.constant 0 : i32
    %c0_i32_0 = arith.constant 0 : i32
    %c0_i32_1 = arith.constant 0 : i32
    return %c0_i32, %c0_i32_0 : i32, i32
  }
  func.func @transform_4(%arg0: i32, %arg1: i32) -> (i32, i32) {
    %mul3A = arith.constant 11 : i32
    %mul3A_0 = arith.muli %arg0, %mul3A : i32
    %add3A = arith.addi %mul3A_0, %arg1 : i32
    %c0_i32 = arith.constant 0 : i32
    %c0_i32_1 = arith.constant 0 : i32
    return %add3A, %c0_i32 : i32, i32
  }
}

module attributes {stable_mosaic.version = 14 : i64} {
  func.func @body(%arg0: i32, %arg1: i32, %arg2: memref<1x64x4992xf32, #tpu.memory_space<vmem>>, %arg3: memref<1x64x4992xf32, #tpu.memory_space<vmem>>, %arg4: memref<64x64xf32, #tpu.memory_space<vmem>>, %arg5: memref<1x128xf32, #tpu.memory_space<vmem>>, %arg6: memref<4992x128xf32, #tpu.memory_space<vmem>>) attributes {dimension_semantics = [#tpu.dimension_semantics<arbitrary>, #tpu.dimension_semantics<arbitrary>], iteration_bounds = array<i64: 7, 11>, scalar_prefetch = 0 : i64, scratch_operands = 0 : i64, tpu.core_type = #tpu.core_type<tc>, window_params = [{transform_indices = @transform_0, window_bounds = array<i64: 1, 64, 4992>}, {transform_indices = @transform_1, window_bounds = array<i64: 1, 64, 4992>}, {pipeline_mode = #tpu.pipeline_mode<synchronous>, transform_indices = @transform_2, window_bounds = array<i64: 64, 64>}, {pipeline_mode = #tpu.pipeline_mode<synchronous>, transform_indices = @transform_3, window_bounds = array<i64: 1, 128>}, {transform_indices = @transform_4, window_bounds = array<i64: 4992, 128>}]} {
    %get3A = arith.constant 0 : index
    %get3A_0 = arith.constant 0 : index
    %get3A_1 = arith.constant 0 : index
    %get3A_2 = vector.load %arg2[%get3A, %get3A_0, %get3A_1] : memref<1x64x4992xf32, #tpu.memory_space<vmem>>, vector<1x64x4992xf32>
    %get3A_3 = vector.shape_cast %get3A_2 : vector<1x64x4992xf32> to vector<64x4992xf32>
    %get3A_4 = arith.constant 0 : index
    %get3A_5 = arith.constant 0 : index
    %get3A_6 = vector.load %arg4[%get3A_4, %get3A_5] : memref<64x64xf32, #tpu.memory_space<vmem>>, vector<64x64xf32>
    %dot_general3A = arith.constant dense<0.000000e+00> : vector<4992x64xf32>
    %dot_general3A_7 = tpu.matmul %get3A_3, %get3A_6, %dot_general3A {dimension_numbers = #tpu.dot_dimension_numbers<[0], [1], [1], [0], [0, 1, 1, 0], [], []>, transpose_lhs_hint = false} : vector<64x4992xf32>, vector<64x64xf32>, vector<4992x64xf32> -> vector<4992x64xf32>
    %get3A_8 = arith.constant 0 : index
    %get3A_9 = arith.constant 0 : index
    %get3A_10 = arith.constant 0 : index
    %get3A_11 = vector.load %arg3[%get3A_8, %get3A_9, %get3A_10] : memref<1x64x4992xf32, #tpu.memory_space<vmem>>, vector<1x64x4992xf32>
    %get3A_12 = vector.shape_cast %get3A_11 : vector<1x64x4992xf32> to vector<64x4992xf32>
    %get3A_13 = arith.constant 0 : index
    %get3A_14 = arith.constant 0 : index
    %get3A_15 = vector.load %arg4[%get3A_13, %get3A_14] : memref<64x64xf32, #tpu.memory_space<vmem>>, vector<64x64xf32>
    %dot_general3A_16 = arith.constant dense<0.000000e+00> : vector<4992x64xf32>
    %dot_general3A_17 = tpu.matmul %get3A_12, %get3A_15, %dot_general3A_16 {dimension_numbers = #tpu.dot_dimension_numbers<[0], [1], [1], [0], [0, 1, 1, 0], [], []>, transpose_lhs_hint = false} : vector<64x4992xf32>, vector<64x64xf32>, vector<4992x64xf32> -> vector<4992x64xf32>
    %concatenate3A = tpu.concatenate %dot_general3A_7, %dot_general3A_17 in 1 : vector<4992x64xf32>, vector<4992x64xf32> -> vector<4992x128xf32>
    %get3A_18 = arith.constant 0 : index
    %get3A_19 = arith.constant 0 : index
    %get3A_20 = vector.load %arg5[%get3A_18, %get3A_19] : memref<1x128xf32, #tpu.memory_space<vmem>>, vector<1x128xf32>
    %add3A = vector.broadcast %get3A_20 : vector<1x128xf32> to vector<4992x128xf32>
    %add3A_21 = arith.addf %concatenate3A, %add3A : vector<4992x128xf32>
    %swap3A = arith.constant 0 : index
    %swap3A_22 = arith.constant 0 : index
    %swap3A_23 = vector.load %arg6[%swap3A, %swap3A_22] : memref<4992x128xf32, #tpu.memory_space<vmem>>, vector<4992x128xf32>
    tpu.vector_store %arg6[%swap3A, %swap3A_22], %add3A_21 {strides = array<i32>} : memref<4992x128xf32, #tpu.memory_space<vmem>>, vector<4992x128xf32>,
    return
  }
  func.func @transform_0(%arg0: i32, %arg1: i32) -> (i32, i32, i32) {
    %add3A = arith.constant 0 : i32
    %add3A_0 = arith.addi %add3A, %arg0 : i32
    %min3A = arith.constant 9 : i32
    %min3A_1 = arith.minsi %arg1, %min3A : i32
    %c0_i32 = arith.constant 0 : i32
    %c0_i32_2 = arith.constant 0 : i32
    return %add3A_0, %c0_i32, %min3A_1 : i32, i32, i32
  }
  func.func @transform_1(%arg0: i32, %arg1: i32) -> (i32, i32, i32) {
    %add3A = arith.constant 0 : i32
    %add3A_0 = arith.addi %add3A, %arg0 : i32
    %add3A_1 = arith.constant 10 : i32
    %add3A_2 = arith.addi %arg1, %add3A_1 : i32
    %c0_i32 = arith.constant 0 : i32
    %c0_i32_3 = arith.constant 0 : i32
    return %add3A_0, %c0_i32, %add3A_2 : i32, i32, i32
  }
  func.func @transform_2(%arg0: i32, %arg1: i32) -> (i32, i32) {
    %c0_i32 = arith.constant 0 : i32
    %c0_i32_0 = arith.constant 0 : i32
    %c0_i32_1 = arith.constant 0 : i32
    return %c0_i32, %c0_i32_0 : i32, i32
  }
  func.func @transform_3(%arg0: i32, %arg1: i32) -> (i32, i32) {
    %c0_i32 = arith.constant 0 : i32
    %c0_i32_0 = arith.constant 0 : i32
    %c0_i32_1 = arith.constant 0 : i32
    return %c0_i32, %c0_i32_0 : i32, i32
  }
  func.func @transform_4(%arg0: i32, %arg1: i32) -> (i32, i32) {
    %mul3A = arith.constant 11 : i32
    %mul3A_0 = arith.muli %arg0, %mul3A : i32
    %add3A = arith.addi %mul3A_0, %arg1 : i32
    %c0_i32 = arith.constant 0 : i32
    %c0_i32_1 = arith.constant 0 : i32
    return %add3A, %c0_i32 : i32, i32
  }
}

module attributes {stable_mosaic.version = 14 : i64} {
  func.func @body(%arg0: i32, %arg1: i32, %arg2: memref<1x64x4992xf32, #tpu.memory_space<vmem>>, %arg3: memref<1x64x4992xf32, #tpu.memory_space<vmem>>, %arg4: memref<64x64xf32, #tpu.memory_space<vmem>>, %arg5: memref<1x128xf32, #tpu.memory_space<vmem>>, %arg6: memref<4992x128xf32, #tpu.memory_space<vmem>>) attributes {dimension_semantics = [#tpu.dimension_semantics<arbitrary>, #tpu.dimension_semantics<arbitrary>], iteration_bounds = array<i64: 6, 11>, scalar_prefetch = 0 : i64, scratch_operands = 0 : i64, tpu.core_type = #tpu.core_type<tc>, window_params = [{transform_indices = @transform_0, window_bounds = array<i64: 1, 64, 4992>}, {transform_indices = @transform_1, window_bounds = array<i64: 1, 64, 4992>}, {pipeline_mode = #tpu.pipeline_mode<synchronous>, transform_indices = @transform_2, window_bounds = array<i64: 64, 64>}, {pipeline_mode = #tpu.pipeline_mode<synchronous>, transform_indices = @transform_3, window_bounds = array<i64: 1, 128>}, {transform_indices = @transform_4, window_bounds = array<i64: 4992, 128>}]} {
    %get3A = arith.constant 0 : index
    %get3A_0 = arith.constant 0 : index
    %get3A_1 = arith.constant 0 : index
    %get3A_2 = vector.load %arg2[%get3A, %get3A_0, %get3A_1] : memref<1x64x4992xf32, #tpu.memory_space<vmem>>, vector<1x64x4992xf32>
    %get3A_3 = vector.shape_cast %get3A_2 : vector<1x64x4992xf32> to vector<64x4992xf32>
    %get3A_4 = arith.constant 0 : index
    %get3A_5 = arith.constant 0 : index
    %get3A_6 = vector.load %arg4[%get3A_4, %get3A_5] : memref<64x64xf32, #tpu.memory_space<vmem>>, vector<64x64xf32>
    %dot_general3A = arith.constant dense<0.000000e+00> : vector<4992x64xf32>
    %dot_general3A_7 = tpu.matmul %get3A_3, %get3A_6, %dot_general3A {dimension_numbers = #tpu.dot_dimension_numbers<[0], [1], [1], [0], [0, 1, 1, 0], [], []>, transpose_lhs_hint = false} : vector<64x4992xf32>, vector<64x64xf32>, vector<4992x64xf32> -> vector<4992x64xf32>
    %get3A_8 = arith.constant 0 : index
    %get3A_9 = arith.constant 0 : index
    %get3A_10 = arith.constant 0 : index
    %get3A_11 = vector.load %arg3[%get3A_8, %get3A_9, %get3A_10] : memref<1x64x4992xf32, #tpu.memory_space<vmem>>, vector<1x64x4992xf32>
    %get3A_12 = vector.shape_cast %get3A_11 : vector<1x64x4992xf32> to vector<64x4992xf32>
    %get3A_13 = arith.constant 0 : index
    %get3A_14 = arith.constant 0 : index
    %get3A_15 = vector.load %arg4[%get3A_13, %get3A_14] : memref<64x64xf32, #tpu.memory_space<vmem>>, vector<64x64xf32>
    %dot_general3A_16 = arith.constant dense<0.000000e+00> : vector<4992x64xf32>
    %dot_general3A_17 = tpu.matmul %get3A_12, %get3A_15, %dot_general3A_16 {dimension_numbers = #tpu.dot_dimension_numbers<[0], [1], [1], [0], [0, 1, 1, 0], [], []>, transpose_lhs_hint = false} : vector<64x4992xf32>, vector<64x64xf32>, vector<4992x64xf32> -> vector<4992x64xf32>
    %concatenate3A = tpu.concatenate %dot_general3A_7, %dot_general3A_17 in 1 : vector<4992x64xf32>, vector<4992x64xf32> -> vector<4992x128xf32>
    %get3A_18 = arith.constant 0 : index
    %get3A_19 = arith.constant 0 : index
    %get3A_20 = vector.load %arg5[%get3A_18, %get3A_19] : memref<1x128xf32, #tpu.memory_space<vmem>>, vector<1x128xf32>
    %add3A = vector.broadcast %get3A_20 : vector<1x128xf32> to vector<4992x128xf32>
    %add3A_21 = arith.addf %concatenate3A, %add3A : vector<4992x128xf32>
    %swap3A = arith.constant 0 : index
    %swap3A_22 = arith.constant 0 : index
    %swap3A_23 = vector.load %arg6[%swap3A, %swap3A_22] : memref<4992x128xf32, #tpu.memory_space<vmem>>, vector<4992x128xf32>
    tpu.vector_store %arg6[%swap3A, %swap3A_22], %add3A_21 {strides = array<i32>} : memref<4992x128xf32, #tpu.memory_space<vmem>>, vector<4992x128xf32>,
    return
  }
  func.func @transform_0(%arg0: i32, %arg1: i32) -> (i32, i32, i32) {
    %add3A = arith.constant 14 : i32
    %add3A_0 = arith.addi %add3A, %arg0 : i32
    %min3A = arith.constant 9 : i32
    %min3A_1 = arith.minsi %arg1, %min3A : i32
    %c0_i32 = arith.constant 0 : i32
    %c0_i32_2 = arith.constant 0 : i32
    return %add3A_0, %c0_i32, %min3A_1 : i32, i32, i32
  }
  func.func @transform_1(%arg0: i32, %arg1: i32) -> (i32, i32, i32) {
    %add3A = arith.constant 14 : i32
    %add3A_0 = arith.addi %add3A, %arg0 : i32
    %add3A_1 = arith.constant 10 : i32
    %add3A_2 = arith.addi %arg1, %add3A_1 : i32
    %c0_i32 = arith.constant 0 : i32
    %c0_i32_3 = arith.constant 0 : i32
    return %add3A_0, %c0_i32, %add3A_2 : i32, i32, i32
  }
  func.func @transform_2(%arg0: i32, %arg1: i32) -> (i32, i32) {
    %c0_i32 = arith.constant 0 : i32
    %c0_i32_0 = arith.constant 0 : i32
    %c0_i32_1 = arith.constant 0 : i32
    return %c0_i32, %c0_i32_0 : i32, i32
  }
  func.func @transform_3(%arg0: i32, %arg1: i32) -> (i32, i32) {
    %c0_i32 = arith.constant 0 : i32
    %c0_i32_0 = arith.constant 0 : i32
    %c0_i32_1 = arith.constant 0 : i32
    return %c0_i32, %c0_i32_0 : i32, i32
  }
  func.func @transform_4(%arg0: i32, %arg1: i32) -> (i32, i32) {
    %mul3A = arith.constant 11 : i32
    %mul3A_0 = arith.muli %arg0, %mul3A : i32
    %add3A = arith.addi %mul3A_0, %arg1 : i32
    %c0_i32 = arith.constant 0 : i32
    %c0_i32_1 = arith.constant 0 : i32
    return %add3A, %c0_i32 : i32, i32
  }
}

module attributes {stable_mosaic.version = 14 : i64} {
  func.func @body(%arg0: i32, %arg1: i32, %arg2: memref<1x64x4992xf32, #tpu.memory_space<vmem>>, %arg3: memref<1x64x4992xf32, #tpu.memory_space<vmem>>, %arg4: memref<64x64xf32, #tpu.memory_space<vmem>>, %arg5: memref<1x128xf32, #tpu.memory_space<vmem>>, %arg6: memref<4992x128xf32, #tpu.memory_space<vmem>>) attributes {dimension_semantics = [#tpu.dimension_semantics<arbitrary>, #tpu.dimension_semantics<arbitrary>], iteration_bounds = array<i64: 6, 11>, scalar_prefetch = 0 : i64, scratch_operands = 0 : i64, tpu.core_type = #tpu.core_type<tc>, window_params = [{transform_indices = @transform_0, window_bounds = array<i64: 1, 64, 4992>}, {transform_indices = @transform_1, window_bounds = array<i64: 1, 64, 4992>}, {pipeline_mode = #tpu.pipeline_mode<synchronous>, transform_indices = @transform_2, window_bounds = array<i64: 64, 64>}, {pipeline_mode = #tpu.pipeline_mode<synchronous>, transform_indices = @transform_3, window_bounds = array<i64: 1, 128>}, {transform_indices = @transform_4, window_bounds = array<i64: 4992, 128>}]} {
    %get3A = arith.constant 0 : index
    %get3A_0 = arith.constant 0 : index
    %get3A_1 = arith.constant 0 : index
    %get3A_2 = vector.load %arg2[%get3A, %get3A_0, %get3A_1] : memref<1x64x4992xf32, #tpu.memory_space<vmem>>, vector<1x64x4992xf32>
    %get3A_3 = vector.shape_cast %get3A_2 : vector<1x64x4992xf32> to vector<64x4992xf32>
    %get3A_4 = arith.constant 0 : index
    %get3A_5 = arith.constant 0 : index
    %get3A_6 = vector.load %arg4[%get3A_4, %get3A_5] : memref<64x64xf32, #tpu.memory_space<vmem>>, vector<64x64xf32>
    %dot_general3A = arith.constant dense<0.000000e+00> : vector<4992x64xf32>
    %dot_general3A_7 = tpu.matmul %get3A_3, %get3A_6, %dot_general3A {dimension_numbers = #tpu.dot_dimension_numbers<[0], [1], [1], [0], [0, 1, 1, 0], [], []>, transpose_lhs_hint = false} : vector<64x4992xf32>, vector<64x64xf32>, vector<4992x64xf32> -> vector<4992x64xf32>
    %get3A_8 = arith.constant 0 : index
    %get3A_9 = arith.constant 0 : index
    %get3A_10 = arith.constant 0 : index
    %get3A_11 = vector.load %arg3[%get3A_8, %get3A_9, %get3A_10] : memref<1x64x4992xf32, #tpu.memory_space<vmem>>, vector<1x64x4992xf32>
    %get3A_12 = vector.shape_cast %get3A_11 : vector<1x64x4992xf32> to vector<64x4992xf32>
    %get3A_13 = arith.constant 0 : index
    %get3A_14 = arith.constant 0 : index
    %get3A_15 = vector.load %arg4[%get3A_13, %get3A_14] : memref<64x64xf32, #tpu.memory_space<vmem>>, vector<64x64xf32>
    %dot_general3A_16 = arith.constant dense<0.000000e+00> : vector<4992x64xf32>
    %dot_general3A_17 = tpu.matmul %get3A_12, %get3A_15, %dot_general3A_16 {dimension_numbers = #tpu.dot_dimension_numbers<[0], [1], [1], [0], [0, 1, 1, 0], [], []>, transpose_lhs_hint = false} : vector<64x4992xf32>, vector<64x64xf32>, vector<4992x64xf32> -> vector<4992x64xf32>
    %concatenate3A = tpu.concatenate %dot_general3A_7, %dot_general3A_17 in 1 : vector<4992x64xf32>, vector<4992x64xf32> -> vector<4992x128xf32>
    %get3A_18 = arith.constant 0 : index
    %get3A_19 = arith.constant 0 : index
    %get3A_20 = vector.load %arg5[%get3A_18, %get3A_19] : memref<1x128xf32, #tpu.memory_space<vmem>>, vector<1x128xf32>
    %add3A = vector.broadcast %get3A_20 : vector<1x128xf32> to vector<4992x128xf32>
    %add3A_21 = arith.addf %concatenate3A, %add3A : vector<4992x128xf32>
    %swap3A = arith.constant 0 : index
    %swap3A_22 = arith.constant 0 : index
    %swap3A_23 = vector.load %arg6[%swap3A, %swap3A_22] : memref<4992x128xf32, #tpu.memory_space<vmem>>, vector<4992x128xf32>
    tpu.vector_store %arg6[%swap3A, %swap3A_22], %add3A_21 {strides = array<i32>} : memref<4992x128xf32, #tpu.memory_space<vmem>>, vector<4992x128xf32>,
    return
  }
  func.func @transform_0(%arg0: i32, %arg1: i32) -> (i32, i32, i32) {
    %add3A = arith.constant 20 : i32
    %add3A_0 = arith.addi %add3A, %arg0 : i32
    %min3A = arith.constant 9 : i32
    %min3A_1 = arith.minsi %arg1, %min3A : i32
    %c0_i32 = arith.constant 0 : i32
    %c0_i32_2 = arith.constant 0 : i32
    return %add3A_0, %c0_i32, %min3A_1 : i32, i32, i32
  }
  func.func @transform_1(%arg0: i32, %arg1: i32) -> (i32, i32, i32) {
    %add3A = arith.constant 20 : i32
    %add3A_0 = arith.addi %add3A, %arg0 : i32
    %add3A_1 = arith.constant 10 : i32
    %add3A_2 = arith.addi %arg1, %add3A_1 : i32
    %c0_i32 = arith.constant 0 : i32
    %c0_i32_3 = arith.constant 0 : i32
    return %add3A_0, %c0_i32, %add3A_2 : i32, i32, i32
  }
  func.func @transform_2(%arg0: i32, %arg1: i32) -> (i32, i32) {
    %c0_i32 = arith.constant 0 : i32
    %c0_i32_0 = arith.constant 0 : i32
    %c0_i32_1 = arith.constant 0 : i32
    return %c0_i32, %c0_i32_0 : i32, i32
  }
  func.func @transform_3(%arg0: i32, %arg1: i32) -> (i32, i32) {
    %c0_i32 = arith.constant 0 : i32
    %c0_i32_0 = arith.constant 0 : i32
    %c0_i32_1 = arith.constant 0 : i32
    return %c0_i32, %c0_i32_0 : i32, i32
  }
  func.func @transform_4(%arg0: i32, %arg1: i32) -> (i32, i32) {
    %mul3A = arith.constant 11 : i32
    %mul3A_0 = arith.muli %arg0, %mul3A : i32
    %add3A = arith.addi %mul3A_0, %arg1 : i32
    %c0_i32 = arith.constant 0 : i32
    %c0_i32_1 = arith.constant 0 : i32
    return %add3A, %c0_i32 : i32, i32
  }
}

module attributes {stable_mosaic.version = 14 : i64} {
  func.func @body(%arg0: i32, %arg1: memref<1x1x4096xf32, #tpu.memory_space<vmem>>, %arg2: memref<1x50x64xf32, #tpu.memory_space<vmem>>, %arg3: memref<64x64xf32, #tpu.memory_space<vmem>>, %arg4: memref<64x1xf32, #tpu.memory_space<vmem>>, %arg5: memref<1x64x4096xf32, #tpu.memory_space<vmem>>) attributes {dimension_semantics = [#tpu.dimension_semantics<arbitrary>], iteration_bounds = array<i64: 13>, scalar_prefetch = 0 : i64, scratch_operands = 0 : i64, tpu.core_type = #tpu.core_type<tc>, window_params = [{transform_indices = @transform_0, window_bounds = array<i64: 1, 1, 4096>}, {transform_indices = @transform_1, window_bounds = array<i64: 1, 50, 64>}, {pipeline_mode = #tpu.pipeline_mode<synchronous>, transform_indices = @transform_2, window_bounds = array<i64: 64, 64>}, {pipeline_mode = #tpu.pipeline_mode<synchronous>, transform_indices = @transform_3, window_bounds = array<i64: 64, 1>}, {transform_indices = @transform_4, window_bounds = array<i64: 1, 64, 4096>}]} {
    %get3A = arith.constant 0 : index
    %get3A_0 = arith.constant 0 : index
    %get3A_1 = arith.constant 0 : index
    %get3A_2 = vector.load %arg1[%get3A, %get3A_0, %get3A_1] : memref<1x1x4096xf32, #tpu.memory_space<vmem>>, vector<1x1x4096xf32>
    %get3A_3 = vector.shape_cast %get3A_2 : vector<1x1x4096xf32> to vector<1x4096xf32>
    %mul3A = arith.constant 5.000000e+01 : f32
    %mul3A_4 = vector.broadcast %mul3A : f32 to vector<1x4096xf32>
    %mul3A_5 = arith.mulf %get3A_3, %mul3A_4 : vector<1x4096xf32>
    %convert_element_type3A = arith.fptosi %mul3A_5 : vector<1x4096xf32> to vector<1x4096xi32>
    %jit3A = arith.constant 0 : i32
    %jit3A_6 = arith.constant 49 : i32
    %max3A = vector.broadcast %jit3A : i32 to vector<1x4096xi32>
    %max3A_7 = arith.maxsi %max3A, %convert_element_type3A : vector<1x4096xi32>
    %min3A = vector.broadcast %jit3A_6 : i32 to vector<1x4096xi32>
    %min3A_8 = arith.minsi %min3A, %max3A_7 : vector<1x4096xi32>
    %iota3A = tpu.iota {dimensions = array<i32: 0>} : vector<50x4096xi32>
    %eq3A = vector.broadcast %min3A_8 : vector<1x4096xi32> to vector<50x4096xi32>
    %eq3A_9 = arith.cmpi eq, %iota3A, %eq3A : vector<50x4096xi32>
    %convert_element_type3A_10 = arith.extui %eq3A_9 : vector<50x4096xi1> to vector<50x4096xi32>
    %convert_element_type3A_11 = arith.sitofp %convert_element_type3A_10 : vector<50x4096xi32> to vector<50x4096xf32>
    %get3A_12 = arith.constant 0 : index
    %get3A_13 = arith.constant 0 : index
    %get3A_14 = arith.constant 0 : index
    %get3A_15 = vector.load %arg2[%get3A_12, %get3A_13, %get3A_14] : memref<1x50x64xf32, #tpu.memory_space<vmem>>, vector<1x50x64xf32>
    %get3A_16 = vector.shape_cast %get3A_15 : vector<1x50x64xf32> to vector<50x64xf32>
    %dot_general3A = arith.constant dense<0.000000e+00> : vector<64x4096xf32>
    %dot_general3A_17 = tpu.matmul %get3A_16, %convert_element_type3A_11, %dot_general3A {dimension_numbers = #tpu.dot_dimension_numbers<[0], [0], [1], [1], [0, 1, 1, 1], [], []>, transpose_lhs_hint = false} : vector<50x64xf32>, vector<50x4096xf32>, vector<64x4096xf32> -> vector<64x4096xf32>
    %get3A_18 = arith.constant 0 : index
    %get3A_19 = arith.constant 0 : index
    %get3A_20 = vector.load %arg3[%get3A_18, %get3A_19] : memref<64x64xf32, #tpu.memory_space<vmem>>, vector<64x64xf32>
    %dot_general3A_21 = arith.constant dense<0.000000e+00> : vector<64x4096xf32>
    %dot_general3A_22 = tpu.matmul %get3A_20, %dot_general3A_17, %dot_general3A_21 {dimension_numbers = #tpu.dot_dimension_numbers<[1], [0], [0], [1], [0, 0, 1, 1], [], []>, transpose_lhs_hint = false} : vector<64x64xf32>, vector<64x4096xf32>, vector<64x4096xf32> -> vector<64x4096xf32>
    %get3A_23 = arith.constant 0 : index
    %get3A_24 = arith.constant 0 : index
    %get3A_25 = vector.load %arg4[%get3A_23, %get3A_24] : memref<64x1xf32, #tpu.memory_space<vmem>>, vector<64x1xf32>
    %add3A = vector.broadcast %get3A_25 : vector<64x1xf32> to vector<64x4096xf32>
    %add3A_26 = arith.addf %dot_general3A_22, %add3A : vector<64x4096xf32>
    %reshape3A = vector.shape_cast %add3A_26 : vector<64x4096xf32> to vector<1x64x4096xf32>
    %swap3A = arith.constant 0 : index
    %swap3A_27 = arith.constant 0 : index
    %swap3A_28 = arith.constant 0 : index
    %swap3A_29 = vector.load %arg5[%swap3A, %swap3A_27, %swap3A_28] : memref<1x64x4096xf32, #tpu.memory_space<vmem>>, vector<1x64x4096xf32>
    tpu.vector_store %arg5[%swap3A, %swap3A_27, %swap3A_28], %reshape3A {strides = array<i32>} : memref<1x64x4096xf32, #tpu.memory_space<vmem>>, vector<1x64x4096xf32>,
    return
  }
  func.func @transform_0(%arg0: i32) -> (i32, i32, i32) {
    %c0_i32 = arith.constant 0 : i32
    %c0_i32_0 = arith.constant 0 : i32
    %c0_i32_1 = arith.constant 0 : i32
    return %arg0, %c0_i32, %c0_i32_0 : i32, i32, i32
  }
  func.func @transform_1(%arg0: i32) -> (i32, i32, i32) {
    %c0_i32 = arith.constant 0 : i32
    %c0_i32_0 = arith.constant 0 : i32
    %c0_i32_1 = arith.constant 0 : i32
    return %arg0, %c0_i32, %c0_i32_0 : i32, i32, i32
  }
  func.func @transform_2(%arg0: i32) -> (i32, i32) {
    %c0_i32 = arith.constant 0 : i32
    %c0_i32_0 = arith.constant 0 : i32
    %c0_i32_1 = arith.constant 0 : i32
    return %c0_i32, %c0_i32_0 : i32, i32
  }
  func.func @transform_3(%arg0: i32) -> (i32, i32) {
    %c0_i32 = arith.constant 0 : i32
    %c0_i32_0 = arith.constant 0 : i32
    %c0_i32_1 = arith.constant 0 : i32
    return %c0_i32, %c0_i32_0 : i32, i32
  }
  func.func @transform_4(%arg0: i32) -> (i32, i32, i32) {
    %c0_i32 = arith.constant 0 : i32
    %c0_i32_0 = arith.constant 0 : i32
    %c0_i32_1 = arith.constant 0 : i32
    return %arg0, %c0_i32, %c0_i32_0 : i32, i32, i32
  }
}

</mosaic_0001>

<sc_bundles>
// kernel: kernel.11.cloned.1.call-start
scs
__scs_entry_jumppad:
0x0: {  	(pc) =	sbr.rel $0x88, $3  }
0x1: {  	(tag) =	ssettag $0x0;
	lr =	simm.s32 $0x1  }
0x2: {  	[smem:$0x3F9B] =	sst lr;
	_ =	strace $0xD0000000  }
0x3: {  	_ = 	snop  }
0x4: {  	_ = 	snop  }
0x5: {  	_ = 	snop  }
0x6: {  	_ = 	snop  }
0x7: {  	_ = 	snop  }
__scs_overlays_trampoline_lowered:
0x8: {  	[smem:$0x3FAA] =	sst s0  }
0x9: {  	[smem:$0x3FAB] =	sst s1  }
0xa: {  	[smem:$0x3FAC] =	sst s2  }
0xb: {  	[smem:$0x3FAD] =	sst s3  }
0xc: {  	[smem:$0x3FAE] =	sst s4  }
0xd: {  	[smem:$0x3FAF] =	sst s5  }
0xe: {  	[smem:$0x3FB0] =	sst s6  }
0xf: {  	[smem:$0x3FB1] =	sst s7  }
0x10: {  	[smem:$0x3FB2] =	sst s8  }
0x11: {  	[smem:$0x3FB3] =	sst s9;
	s0 =	simm.s32 @!p0 $0x0  }
0x12: {  	s1 =	sld [smem:$0x3F99];
	s0 =	simm.s32 @p0 $0x1  }
0x13: {  	[smem:$0x3FB4] =	sst s0;
	s0 =	simm.s32 @!p1 $0x0  }
0x14: {  	s2 =	sld [smem:$0x3F98];
	s0 =	simm.s32 @p1 $0x1  }
0x15: {  	[smem:$0x3FB5] =	sst s0;
	s0 =	simm.s32 @!p2 $0x0  }
0x16: {  	s3 =	sld [smem:$0x3FDB];
	s0 =	simm.s32 @p2 $0x1  }
0x17: {  	s4 =	simm.s32 $0x1BF5;
	[smem:$0x3FB7] =	sst s0  }
0x18: {  	s0 =	sld [smem:$0x3F9A];
	_ =	swait.ge [sflag:s4], $0x0  }
0x19: {  	s7 =	sld [smem:$0x3F9B]  }
0x1a: {  	s8 =	sadd.s32 $0xFFFFE003, lr  }
0x1b: {  	s9 =	sadd.s32 $0xFFFFFEF7, lr;
	s5 =	simm.s32 $0xFFFFFFFF;
	p2 =	slt.u32 s8, $0xFFFFF086  }
0x1c: {  	p1 =	slt.u32 s9, $0xF7A;
	s5 =	simm.s32 @!p2 $0x0  }
0x1d: {  	s5 =	simm.s32 @p1 $0x1;
	p0 =	seq.s32 s7, s2  }
0x1e: {  	s7 =	smul.u32 @!p0 $0xF7A, s2;
	p2 =	seq.s32 @!p0 s5, $0x0  }
0x1f: {  	s9 =	smul.u32 $0xF7A, s1;
	s8 =	simm.s32 @!p0 $0x1BF5;
	p2 =	por !p2, p0  }
0x20: {  	[sflag:s8] =	ssyncset.s32 @!p0 $0xFFFFF086;
	s6 =	sadd.s32 @!p0 s3, s7;
	s7 =	simm.s32 @!p0 $0x108  }
0x21: {  	s3 =	sadd.s32 s3, s9;
	s6 =	sadd.s32 @!p0 $0x88, s6;
	s7 =	simm.s32 @p2 $0x1082  }
0x22: {  	[simem:s7], [sflag:s8] =	dma.local @!p0 [hbm:s6], $0xF7A  }
0x23: {  	s9 =	sor.u32 $0xD0000000, s2;
	s6 =	simm.s32 $0x108;
	_ =	swait.ge @!p0 [sflag:s8], $0x0  }
0x24: {  	s3 =	sadd.s32 $0x88, s3;
	s6 =	simm.s32 @!p1 $0x1082;
	[sflag:s4] =	ssyncset.s32 $0xFFFFF086  }
0x25: {  	[simem:s6], [sflag:s4] =	dma.local [hbm:s3], $0xF7A  }
0x26: {  	[smem:$0x3F9B] =	sst s1;
	(tag) =	ssettag s2;
	_ =	strace s9  }
0x27: {  	s1 =	sld [smem:$0x3FAB]  }
0x28: {  	s2 =	sld [smem:$0x3FAC]  }
0x29: {  	s4 =	sld [smem:$0x3FAE]  }
0x2a: {  	p0 =	seq.s32 s5, $0x0;
	s5 =	sld [smem:$0x3FAF]  }
0x2b: {  	s6 =	sld [smem:$0x3FB0]  }
0x2c: {  	s7 =	sld [smem:$0x3FB1]  }
0x2d: {  	s3 =	simm.s32 $0x108;
	s8 =	sld [smem:$0x3FB2]  }
0x2e: {  	s3 =	simm.s32 @!p0 $0x1082;
	s9 =	sld [smem:$0x3FB3]  }
0x2f: {  	lr =	sadd.s32 s0, s3;
	s0 =	sld [smem:$0x3FAA]  }
0x30: {  	s3 =	sld [smem:$0x3FAD]  }
0x31: {  	[smem:$0x3FB6] =	sst s10  }
0x32: {  	s10 =	sld [smem:$0x3FB4];
	_ =	sdelay $0x3  }
0x33: {  	p0 =	seq.s32 s10, $0x1;
	s10 =	sld [smem:$0x3FB6];
	_ =	sdelay $0x3  }
0x34: {  	[smem:$0x3FB6] =	sst s10  }
0x35: {  	s10 =	sld [smem:$0x3FB5];
	_ =	sdelay $0x3  }
0x36: {  	p1 =	seq.s32 s10, $0x1;
	s10 =	sld [smem:$0x3FB6];
	_ =	sdelay $0x3  }
0x37: {  	[smem:$0x3FB6] =	sst s10  }
0x38: {  	s10 =	sld [smem:$0x3FB7]  }
0x39: {  	_ = 	snop;
	(pc) =	sbr.ind lr, $3  }
0x3a: {  	_ = 	snop  }
0x3b: {  	_ = 	snop  }
0x3c: {  	p2 =	seq.s32 s10, $0x1;
	s10 =	sld [smem:$0x3FB6]  }
0x3d: {  	_ =	shalt  }
0x3e: {  	_ =	shalt  }
0x3f: {  	_ =	shalt  }
0x40: {  	_ =	shalt  }
0x41: {  	_ =	shalt  }
0x42: {  	_ =	shalt  }
0x43: {  	_ =	shalt  }
0x44: {  	_ =	shalt  }
0x45: {  	_ =	shalt  }
0x46: {  	_ =	shalt  }
0x47: {  	_ =	shalt  }
0x48: {  	_ =	shalt  }
0x49: {  	_ =	shalt  }
0x4a: {  	_ =	shalt  }
0x4b: {  	_ =	shalt  }
0x4c: {  	_ =	shalt  }
0x4d: {  	_ =	shalt  }
0x4e: {  	_ =	shalt  }
0x4f: {  	_ =	shalt  }
0x50: {  	_ =	shalt  }
0x51: {  	_ =	shalt  }
0x52: {  	_ =	shalt  }
0x53: {  	_ =	shalt  }
0x54: {  	_ =	shalt  }
0x55: {  	_ =	shalt  }
0x56: {  	_ =	shalt  }
0x57: {  	_ =	shalt  }
0x58: {  	_ =	shalt  }
0x59: {  	_ =	shalt  }
0x5a: {  	_ =	shalt  }
0x5b: {  	_ =	shalt  }
0x5c: {  	_ =	shalt  }
0x5d: {  	_ =	shalt  }
0x5e: {  	_ =	shalt  }
0x5f: {  	_ =	shalt  }
0x60: {  	_ =	shalt  }
0x61: {  	_ =	shalt  }
0x62: {  	_ =	shalt  }
0x63: {  	_ =	shalt  }
0x64: {  	_ =	shalt  }
0x65: {  	_ =	shalt  }
0x66: {  	_ =	shalt  }
0x67: {  	_ =	shalt  }
0x68: {  	_ =	shalt  }
0x69: {  	_ =	shalt  }
0x6a: {  	_ =	shalt  }
0x6b: {  	_ =	shalt  }
0x6c: {  	_ =	shalt  }
0x6d: {  	_ =	shalt  }
0x6e: {  	_ =	shalt  }
0x6f: {  	_ =	shalt  }
0x70: {  	_ =	shalt  }
0x71: {  	_ =	shalt  }
0x72: {  	_ =	shalt  }
0x73: {  	_ =	shalt  }
0x74: {  	_ =	shalt  }
0x75: {  	_ =	shalt  }
0x76: {  	_ =	shalt  }
0x77: {  	_ =	shalt  }
0x78: {  	_ =	shalt  }
0x79: {  	_ =	shalt  }
0x7a: {  	_ =	shalt  }
0x7b: {  	_ =	shalt  }
0x7c: {  	_ =	shalt  }
0x7d: {  	_ =	shalt  }
0x7e: {  	_ =	shalt  }
0x7f: {  	_ =	shalt  }
0x80: {  	_ =	shalt  }
0x81: {  	_ =	shalt  }
0x82: {  	_ =	shalt  }
0x83: {  	_ =	shalt  }
0x84: {  	_ =	shalt  }
0x85: {  	_ =	shalt  }
0x86: {  	_ =	shalt  }
0x87: {  	_ =	shalt  }
.Lfunc_end0:
.L_simem_size_0:
called_computation_lowered:
.L_overlay_start_0:
0x88: {  	s2 =	sld [smem:$0x3FD9]  }
0x89: {  	s3 =	sld [smem:$0x3FFE];
	_ =	sdelay $0x1  }
0x8a: {  	s1 =	srdreg.scid  }
0x8b: {  	s0 =	sand.u32 $0x1, s1  }
0x8c: {  	s16 =	sshll.u32 s0, $0xA;
	s2 =	sadd.s32 s3, s2  }
0x8d: {  	s2 =	sadd.s32 s2, s16  }
0x8e: {  	[smem:$0x3FC2] =	sst s2  }
0x8f: {  	_ = 	snop  }
0x90: {  	(tm) =	ssettm $0x1  }
0x91: {  	s17 =	sld [smem:$0x3FFB];
	_ =	sdelay $0x3  }
0x92: {  	_ =	strace s17  }
0x93: {  	s2 =	sld [smem:$0x3FFC];
	_ =	sdelay $0x3  }
0x94: {  	_ =	strace s2  }
0x95: {  	s2 =	sld [smem:$0x3FFD];
	_ =	sdelay $0x3  }
0x96: {  	_ =	strace s2  }
0x97: {  	_ =	strace $0x8FFFFFFF  }
0x98: {  	s18 =	sld [smem:$0x3FDB];
	_ =	sdelay $0x1  }
0x99: {  	s19 =	simm.s32 $_scs_section_size  }
0x9a: {  	s4 =	simm.s32 $_size__tile_overlayer_lowered;
	s5 =	simm.s32 $_tile_overlayer_lowered  }
0x9b: {  	s22 =	simm.s32 $0x1BFF;
	s21 =	sshll.u32 s5, $0x1;
	s2 =	sadd.s32 s19, s18  }
0x9c: {  	s6 =	simm.s32 $0x0;
	s20 =	sshll.u32 s4, $0x1;
	s4 =	sadd.s32 s21, s2  }
0x9d: {  	[timem:s6], [sflag:s22] =	dma.local [hbm:s4], s20  }
0x9e: {  	_ =	swait.ge [sflag:s22], s20  }
0x9f: {  	s3 =	ssub.s32 $0x0, s20;
	[sflag:s22] =	ssyncset.done $0x0  }
0xa0: {  	[sflag:s22] =	ssyncadd.s32 s3;
	_ =	sdelay $0x1  }
0xa1: {  	s23 =	simm.s32 $0x1B8B  }
0xa2: {  	_ =	swait.ge [sflag:s23], $0x1  }
0xa3: {  	[sflag:s23] =	ssyncset.done $0x0  }
0xa4: {  	s25 =	simm.s32 $0x1B8E;
	s24 =	sld [smem:$0x3FFE];
	[sflag:s23] =	ssyncadd.s32 $0xFFFFFFFF  }
0xa5: {  	s26 =	simm.s32 $execute0_lowered;
	[smem:$0x3FD2] =	sst s25  }
0xa6: {  	s4 =	sshll.u32 s26, $0x1;
	_ =	strace $0x80000046;
	[dreg:$0x1] =	wrdreg $0xFFFFFFFF  }
0xa7: {  	s28 =	simm.s32 $_size_execute0_lowered;
	s2 =	sadd.s32 s2, s4;
	[dreg:$0x0] =	wrdreg $0x0  }
0xa8: {  	s4 =	sshll.u32 s28, $0x1;
	[dreg:$0x2] =	wrdreg s2  }
0xa9: {  	[dreg:$0x3] =	wrdreg s4  }
0xaa: {  	[dreg:$0x4] =	wrdreg $0xC0  }
0xab: {  	_ =	task [dreg:s6], $0x5FFFF  }
0xac: {  	[dreg:$0x1] =	wrdreg $0xFFFFFFFF  }
0xad: {  	[dreg:$0x0] =	wrdreg $0x60  }
0xae: {  	[dreg:$0x2] =	wrdreg s24  }
0xaf: {  	[dreg:$0x3] =	wrdreg $0x9  }
0xb0: {  	_ =	task.clear_ibuf [dreg:s6], $0x4FFFF;
	_ =	strace $0x90000046  }
0xb1: {  	s29 =	simm.s32 $0x9;
	_ =	strace $0x80000048  }
0xb2: {  	_ =	swait.ge [sflag:s29], $0x1  }
0xb3: {  	[sflag:s29] =	ssyncadd.s32 $0xFFFFFFFF  }
0xb4: {  	_ =	strace $0x90000048  }
0xb5: {  	_ =	sfence  }
0xb6: {  	s30 =	sld [smem:$0x0];
	_ =	sdelay $0x2  }
0xb7: {  	s31 =	sshll.u32 s1, $0xD;
	s1 =	sshrl.u32 s1, $0x2  }
0xb8: {  	s3 =	sand.u32 $0x4000, s31;
	s1 =	sadd.s32 s1, s30  }
0xb9: {  	s0 =	sor.u32 s3, s0;
	s1 =	sshll.u32 s1, $0x11  }
0xba: {  	s0 =	sor.u32 s1, s0  }
0xbb: {  	s0 =	sadd.s32 $0x8F2B, s0  }
0xbc: {  	[sflag:s0] =	ssyncadd.remote.s32 $0x1  }
0xbd: {  	_ =	sfence.sel $0xFFFF  }
0xbe: {  	[dreg:$0x0] =	wrdreg $0xFFFFFFFF;
	(pc) =	sbr.abs _section_cstart, $3  }
0xbf: {  	[dreg:$0x1] =	wrdreg $0xFFFFFFFF  }
0xc0: {  	_ =	task.clear_ibuf [dreg:s6], $0x2FFFF;
	_ =	strace $0x9FFFFFFF  }
0xc1: {  	(tm) =	ssettm $0x7FFFFFFF  }
tec
execute0_lowered:
.L_overlay_start_1:
0x0: {  	(tag) =	ssettag $0x1  }
0x1: {  	s5 =	rddreg [dreg:$0x0];
	s2 =	srdreg.scid  }
0x2: {  	s0 =	rddreg [dreg:$0x1];
	s1 =	stileid.u32  }
0x3: {  	s9 =	simm.s32 $0x8000;
	s10 =	simm.s32 $0x2;
	s11 =	simm.s32 $0x80  }
0x4: {  	s12 =	simm.s32 $0x500;
	s13 =	simm.s32 $0x1;
	s14 =	simm.s32 $0x4500  }
0x5: {  	s15 =	simm.s32 $0x0;
	s4 =	sand.u32 $0x1, s2;
	s2 =	simm.s32 $0x0  }
0x6: {  	s3 =	sshll.u32 s1, $0xB;
	s6 =	sshll.u32 s4, $0xA;
	[smem:$0x7FF] =	sst s2  }
0x7: {  	s7 =	ssub.s32 $0x2, s4;
	s4 =	sadd.s32 $0x4800, s5;
	s3 =	sor.u32 s6, s3  }
0x8: {  	_ =	strace $0x80000047;
	s8 =	sshrl.u32 s7, $0x1;
	s6 =	sshrl.u32 s3, $0x3  }
0x9: {  	v1 =	vlaneseq.u32;
	s7 =	ssub.s32 s7, s8;
	s8 =	simm.s32 $0x400;
	s6 =	sadd.s32 s6, s5  }
0xa: {  	v0 =	vimm.s32 $0x0;
	v1 =	vmul.u32 $0x80, v1;
	s5 =	sadd.s32 $0x5E2000, s5;
	s7 =	smax.u32 s7, $0x1;
	s6 =	sadd.s32 $0x2800, s6  }
.LBB2_1:
0xb: {  	[tilespmem:s2], [sflag:$0x2] =	stream.strided.gather [hbm4b:s6+s8], $0x0, s9, s8, $0x38;
	[tilespmem:$0x6500] =	vst v63  }
0xc: {  	_ = 	snop  }
0xd: {  	[tilespmem:s2], [sflag:$0x2] =	stream.linear.gather [hbm4b:s6+s2], $0x380, $0x38;
	[tilespmem:$0x6500] =	vst v63  }
0xe: {  	_ =	swait.ge [sflag:s10], $0x380  }
0xf: {  	[sflag:s10] =	ssyncset.done $0x0  }
0x10: {  	s16 =	simm.s32 $0x0;
	[sflag:s10] =	ssyncadd.s32 $0xFFFFFC80  }
.LBB2_2:
0x11: {  	s17 =	sshll.u32 s16, $0x7  }
0x12: {  	s17 =	sand.u32 $0x3FFFFF80, s17  }
0x13: {  	v2 =	vld [tilespmem:s17+$0x0];
	_ =	sdelay $0x3  }
0x14: {  	s18 =	smul.u32 $0xD680, s16  }
0x15: {  	vm0 =	vgt.s32 v2, $0xC2FF  }
0x16: {  	v2 =	vadd.s32 s18, v2;
	v3 =	vsel vm0, $0xFFFF3D00, v0  }
0x17: {  	v2 =	vadd.s32 v3, v2  }
0x18: {  	[tilespmem:$0x400] =	vst v2;
	v2 =	vsel vm0, $0x40, v0  }
0x19: {  	[tilespmem:$0x480] =	vst v2  }
0x1a: {  	v2 =	vld [tilespmem:s17+$0x10];
	_ =	sdelay $0x4  }
0x1b: {  	vm9 =	vgt.s32 v2, $0xC2FF  }
0x1c: {  	v2 =	vadd.s32 s18, v2;
	v3 =	vsel vm9, $0xFFFF3D00, v0  }
0x1d: {  	v2 =	vadd.s32 v3, v2  }
0x1e: {  	[tilespmem:$0x410] =	vst v2;
	v2 =	vsel vm9, $0x40, v0  }
0x1f: {  	[tilespmem:$0x490] =	vst v2  }
0x20: {  	v2 =	vld [tilespmem:s17+$0x20];
	_ =	sdelay $0x4  }
0x21: {  	vm10 =	vgt.s32 v2, $0xC2FF  }
0x22: {  	v2 =	vadd.s32 s18, v2;
	v3 =	vsel vm10, $0xFFFF3D00, v0  }
0x23: {  	v2 =	vadd.s32 v3, v2  }
0x24: {  	[tilespmem:$0x420] =	vst v2;
	v2 =	vsel vm10, $0x40, v0  }
0x25: {  	[tilespmem:$0x4A0] =	vst v2  }
0x26: {  	v2 =	vld [tilespmem:s17+$0x30];
	_ =	sdelay $0x4  }
0x27: {  	vm11 =	vgt.s32 v2, $0xC2FF  }
0x28: {  	v2 =	vadd.s32 s18, v2;
	v3 =	vsel vm11, $0xFFFF3D00, v0  }
0x29: {  	v2 =	vadd.s32 v3, v2  }
0x2a: {  	[tilespmem:$0x430] =	vst v2;
	v2 =	vsel vm11, $0x40, v0  }
0x2b: {  	[tilespmem:$0x4B0] =	vst v2  }
0x2c: {  	v2 =	vld [tilespmem:s17+$0x40];
	_ =	sdelay $0x4  }
0x2d: {  	vm12 =	vgt.s32 v2, $0xC2FF  }
0x2e: {  	v2 =	vadd.s32 s18, v2;
	v3 =	vsel vm12, $0xFFFF3D00, v0  }
0x2f: {  	v2 =	vadd.s32 v3, v2  }
0x30: {  	[tilespmem:$0x440] =	vst v2;
	v2 =	vsel vm12, $0x40, v0  }
0x31: {  	[tilespmem:$0x4C0] =	vst v2  }
0x32: {  	v2 =	vld [tilespmem:s17+$0x50];
	_ =	sdelay $0x4  }
0x33: {  	vm13 =	vgt.s32 v2, $0xC2FF  }
0x34: {  	v2 =	vadd.s32 s18, v2;
	v3 =	vsel vm13, $0xFFFF3D00, v0  }
0x35: {  	v2 =	vadd.s32 v3, v2  }
0x36: {  	[tilespmem:$0x450] =	vst v2;
	v2 =	vsel vm13, $0x40, v0  }
0x37: {  	[tilespmem:$0x4D0] =	vst v2  }
0x38: {  	v2 =	vld [tilespmem:s17+$0x60];
	_ =	sdelay $0x4  }
0x39: {  	vm14 =	vgt.s32 v2, $0xC2FF  }
0x3a: {  	v2 =	vadd.s32 s18, v2;
	v3 =	vsel vm14, $0xFFFF3D00, v0  }
0x3b: {  	v2 =	vadd.s32 v3, v2  }
0x3c: {  	[tilespmem:$0x460] =	vst v2;
	v2 =	vsel vm14, $0x40, v0  }
0x3d: {  	[tilespmem:$0x4E0] =	vst v2  }
0x3e: {  	v2 =	vld [tilespmem:s17+$0x70];
	_ =	sdelay $0x4  }
0x3f: {  	vm15 =	vgt.s32 v2, $0xC2FF  }
0x40: {  	v2 =	vadd.s32 s18, v2;
	v3 =	vsel vm15, $0xFFFF3D00, v0  }
0x41: {  	v2 =	vadd.s32 v3, v2  }
0x42: {  	[tilespmem:$0x470] =	vst v2;
	v2 =	vsel vm15, $0x40, v0  }
0x43: {  	[tilespmem:$0x4F0] =	vst v2  }
0x44: {  	[tilespmem:s12], [sflag:$0x1] =	stream.indirect.gather [hbm4b:s4+s11], $0x80, s8, s11, $0xb8;
	[tilespmem:$0x6500] =	vst v63  }
0x45: {  	_ =	swait.ge [sflag:s13], $0x4000  }
0x46: {  	s19 =	simm.s32 $0x0;
	[sflag:s13] =	ssyncset.done $0x0  }
0x47: {  	s17 =	simm.s32 $0x0;
	s18 =	simm.s32 $0x4500;
	[sflag:s13] =	ssyncadd.s32 $0xFFFFC000  }
.LBB2_3:
0x48: {  	s20 =	sshll.u32 s19, $0x4  }
0x49: {  	v3 =	vld [tilespmem:s20+$0x480];
	_ =	sdelay $0x3  }
0x4a: {  	v2 =	vmov s20  }
0x4b: {  	v2 =	vshll.u32 v2, $0x7;
	v4 =	vadd.s32 s17, v3  }
0x4c: {  	v2 =	vor.u32 v1, v2;
	v5 =	vand.u32 $0xFFFFFF80, v4  }
0x4d: {  	v4 =	vand.u32 $0x7F, v4;
	v5 =	vadd.s32 v2, v5  }
0x4e: {  	v4 =	vor.u32 v4, v5;
	_ =	sdelay $0x3  }
0x4f: {  	s30 =	simm.s32 $0x1  }
0x50: {  	v6 =	vld.idx.msk [tilespmem:v4+s12+$0x0], $0xffff;
	v4 =	vadd.s32 s30, v3  }
0x51: {  	v5 =	vand.u32 $0xFFFFFF80, v4  }
0x52: {  	v4 =	vand.u32 $0x7F, v4;
	v5 =	vadd.s32 v2, v5  }
0x53: {  	v4 =	vor.u32 v4, v5;
	_ =	sdelay $0x2  }
0x54: {  	s31 =	simm.s32 $0x2  }
0x55: {  	s21 =	simm.s32 $0x3;
	s20 =	smov.u32 s18;
	v5 =	vadd.s32 s31, v3;
	[tilespmem:s18+$0x0] =	vst v6  }
.LBB2_4:
0x56: {  	p0 =	sne.s32 s21, $0x3F;
	v6 =	vand.u32 $0xFFFFFF80, v5;
	v7 =	vld.idx.msk [tilespmem:v4+s12+$0x0], $0xffff  }
0x57: {  	v4 =	vand.u32 $0x7F, v5;
	v5 =	vadd.s32 v2, v6  }
.Ltmp0:
0x58: {  	v4 =	vor.u32 v4, v5;
	(pc) =	sbr.rel @p0 .LBB2_4-.Ltmp0, $3  }
0x59: {  	_ =	sdelay $0x1  }
0x5a: {  	s20 =	sadd.s32 $0x80, s20  }
0x5b: {  	v5 =	vadd.s32 s21, v3;
	s21 =	sadd.s32 $0x1, s21;
	[tilespmem:s20+$0x0] =	vst v7  }
0x5c: {  	_ =	sdelay $0x2  }
0x5d: {  	v3 =	vand.u32 $0xFFFFFF80, v5  }
0x5e: {  	v4 =	vld.idx.msk [tilespmem:v4+s12+$0x0], $0xffff;
	v63 =	vand.u32 $0x7F, v5;
	v2 =	vadd.s32 v2, v3  }
0x5f: {  	v2 =	vor.u32 v63, v2;
	_ =	sdelay $0x2  }
0x60: {  	s20 =	sadd.s32 $0x80, s20  }
0x61: {  	s19 =	sadd.s32 $0x1, s19;
	[tilespmem:s20+$0x0] =	vst v4  }
0x62: {  	p0 =	sne.s32 s19, $0x8;
	v2 =	vld.idx.msk [tilespmem:v2+s12+$0x0], $0xffff  }
.Ltmp1:
0x63: {  	_ = 	snop;
	(pc) =	sbr.rel @p0 .LBB2_3-.Ltmp1, $3  }
0x64: {  	_ =	sdelay $0x1  }
0x65: {  	s20 =	sadd.s32 $0x80, s20  }
0x66: {  	s18 =	sadd.s32 $0x10, s18;
	[tilespmem:s20+$0x0] =	vst v2  }
0x67: {  	s17 =	sshll.u32 s16, $0x12  }
0x68: {  	s16 =	sadd.s32 $0x1, s16;
	s17 =	sor.u32 s3, s17  }
0x69: {  	p0 =	sne.s32 s16, $0x7;
	s17 =	sshrl.u32 s17, $0x3  }
.Ltmp2:
0x6a: {  	s17 =	sadd.s32 s5, s17;
	(pc) =	sbr.rel @p0 .LBB2_2-.Ltmp2, $4  }
0x6b: {  	[hbm4b:s17+s8] =	stream.strided.scatter [tilespmem:s14], [sflag:$0x2], $0x2000, s9, s8, $0x38;
	[tilespmem:$0x6500] =	vst v63  }
0x6c: {  	_ =	swait.ge [sflag:s10], $0x2000  }
0x6d: {  	[sflag:s10] =	ssyncset.done $0x0  }
0x6e: {  	[sflag:s10] =	ssyncadd.s32 $0xFFFFE000  }
0x6f: {  	s15 =	sadd.s32 $0x1, s15  }
0x70: {  	p0 =	sne.s32 s15, s7  }
.Ltmp3:
0x71: {  	_ = 	snop;
	(pc) =	sbr.rel @p0 .LBB2_1-.Ltmp3, $1  }
0x72: {  	_ =	sdelay $0x3  }
0x73: {  	_ =	sfence.sel $0x180000  }
0x74: {  	[bflag:$0x0] =	sbarrier.arrive $0xFFFF  }
0x75: {  	p0 =	sne.s32 s1, $0x0;
	_ =	strace $0x90000047  }
0x76: {  	s0 =	sadd.s32 @!p0 $0x100000, s0;
	[bflag:$0x2] =	sbarrier.arrive $0xFFFF  }
0x77: {  	[sflag:s0] =	ssyncadd.tile.s32 @!p0 $0x1;
	_ =	shalt  }
.Lfunc_end2:
_tile_overlayer_lowered:
.L_overlay_start_2:
0x78: {  	(tag) =	ssettag $0x2  }
0x79: {  	s0 =	rddreg [dreg:$0x0];
	s2 =	stileid.u32  }
0x7a: {  	s1 =	rddreg [dreg:$0x1];
	p0 =	sne.s32 s2, $0x0  }
0x7b: {  	s3 =	rddreg [dreg:$0x2];
	[bflag:$0x3] =	sbarrier.arrive $0xFFFF;
	s2 =	simm.s32 @!p0 $0x1C02  }
0x7c: {  	[timem:s3], [sflag:s2] =	dma.local @!p0 [hbm:s0], s1  }
0x7d: {  	s0 =	simm.s32 @!p0 $0x2  }
0x7e: {  	_ =	swait.ge @!p0 [sflag:s0], s1  }
0x7f: {  	s1 =	ssub.s32 @!p0 $0x0, s1;
	[sflag:s0] =	ssyncset.done @!p0 $0x0  }
0x80: {  	[sflag:s0] =	ssyncadd.s32 @!p0 s1  }
0x81: {  	[bflag:$0x3] =	sbarrier.arrive $0xFFFF  }
0x82: {  	_ =	shalt  }

// kernel: kernel.14.cloned.1.call-start
scs
__scs_entry_jumppad:
0x0: {  	(pc) =	sbr.rel $0x88, $3  }
0x1: {  	(tag) =	ssettag $0x0;
	lr =	simm.s32 $0x1  }
0x2: {  	[smem:$0x3F9B] =	sst lr;
	_ =	strace $0xD0000000  }
0x3: {  	_ = 	snop  }
0x4: {  	_ = 	snop  }
0x5: {  	_ = 	snop  }
0x6: {  	_ = 	snop  }
0x7: {  	_ = 	snop  }
__scs_overlays_trampoline_lowered:
0x8: {  	[smem:$0x3FAA] =	sst s0  }
0x9: {  	[smem:$0x3FAB] =	sst s1  }
0xa: {  	[smem:$0x3FAC] =	sst s2  }
0xb: {  	[smem:$0x3FAD] =	sst s3  }
0xc: {  	[smem:$0x3FAE] =	sst s4  }
0xd: {  	[smem:$0x3FAF] =	sst s5  }
0xe: {  	[smem:$0x3FB0] =	sst s6  }
0xf: {  	[smem:$0x3FB1] =	sst s7  }
0x10: {  	[smem:$0x3FB2] =	sst s8  }
0x11: {  	[smem:$0x3FB3] =	sst s9;
	s0 =	simm.s32 @!p0 $0x0  }
0x12: {  	s1 =	sld [smem:$0x3F99];
	s0 =	simm.s32 @p0 $0x1  }
0x13: {  	[smem:$0x3FB4] =	sst s0;
	s0 =	simm.s32 @!p1 $0x0  }
0x14: {  	s2 =	sld [smem:$0x3F98];
	s0 =	simm.s32 @p1 $0x1  }
0x15: {  	[smem:$0x3FB5] =	sst s0;
	s0 =	simm.s32 @!p2 $0x0  }
0x16: {  	s3 =	sld [smem:$0x3FDB];
	s0 =	simm.s32 @p2 $0x1  }
0x17: {  	s4 =	simm.s32 $0x1BF5;
	[smem:$0x3FB7] =	sst s0  }
0x18: {  	s0 =	sld [smem:$0x3F9A];
	_ =	swait.ge [sflag:s4], $0x0  }
0x19: {  	s7 =	sld [smem:$0x3F9B]  }
0x1a: {  	s8 =	sadd.s32 $0xFFFFE003, lr  }
0x1b: {  	s9 =	sadd.s32 $0xFFFFFEF7, lr;
	s5 =	simm.s32 $0xFFFFFFFF;
	p2 =	slt.u32 s8, $0xFFFFF086  }
0x1c: {  	p1 =	slt.u32 s9, $0xF7A;
	s5 =	simm.s32 @!p2 $0x0  }
0x1d: {  	s5 =	simm.s32 @p1 $0x1;
	p0 =	seq.s32 s7, s2  }
0x1e: {  	s7 =	smul.u32 @!p0 $0xF7A, s2;
	p2 =	seq.s32 @!p0 s5, $0x0  }
0x1f: {  	s9 =	smul.u32 $0xF7A, s1;
	s8 =	simm.s32 @!p0 $0x1BF5;
	p2 =	por !p2, p0  }
0x20: {  	[sflag:s8] =	ssyncset.s32 @!p0 $0xFFFFF086;
	s6 =	sadd.s32 @!p0 s3, s7;
	s7 =	simm.s32 @!p0 $0x108  }
0x21: {  	s3 =	sadd.s32 s3, s9;
	s6 =	sadd.s32 @!p0 $0x88, s6;
	s7 =	simm.s32 @p2 $0x1082  }
0x22: {  	[simem:s7], [sflag:s8] =	dma.local @!p0 [hbm:s6], $0xF7A  }
0x23: {  	s9 =	sor.u32 $0xD0000000, s2;
	s6 =	simm.s32 $0x108;
	_ =	swait.ge @!p0 [sflag:s8], $0x0  }
0x24: {  	s3 =	sadd.s32 $0x88, s3;
	s6 =	simm.s32 @!p1 $0x1082;
	[sflag:s4] =	ssyncset.s32 $0xFFFFF086  }
0x25: {  	[simem:s6], [sflag:s4] =	dma.local [hbm:s3], $0xF7A  }
0x26: {  	[smem:$0x3F9B] =	sst s1;
	(tag) =	ssettag s2;
	_ =	strace s9  }
0x27: {  	s1 =	sld [smem:$0x3FAB]  }
0x28: {  	s2 =	sld [smem:$0x3FAC]  }
0x29: {  	s4 =	sld [smem:$0x3FAE]  }
0x2a: {  	p0 =	seq.s32 s5, $0x0;
	s5 =	sld [smem:$0x3FAF]  }
0x2b: {  	s6 =	sld [smem:$0x3FB0]  }
0x2c: {  	s7 =	sld [smem:$0x3FB1]  }
0x2d: {  	s3 =	simm.s32 $0x108;
	s8 =	sld [smem:$0x3FB2]  }
0x2e: {  	s3 =	simm.s32 @!p0 $0x1082;
	s9 =	sld [smem:$0x3FB3]  }
0x2f: {  	lr =	sadd.s32 s0, s3;
	s0 =	sld [smem:$0x3FAA]  }
0x30: {  	s3 =	sld [smem:$0x3FAD]  }
0x31: {  	[smem:$0x3FB6] =	sst s10  }
0x32: {  	s10 =	sld [smem:$0x3FB4];
	_ =	sdelay $0x3  }
0x33: {  	p0 =	seq.s32 s10, $0x1;
	s10 =	sld [smem:$0x3FB6];
	_ =	sdelay $0x3  }
0x34: {  	[smem:$0x3FB6] =	sst s10  }
0x35: {  	s10 =	sld [smem:$0x3FB5];
	_ =	sdelay $0x3  }
0x36: {  	p1 =	seq.s32 s10, $0x1;
	s10 =	sld [smem:$0x3FB6];
	_ =	sdelay $0x3  }
0x37: {  	[smem:$0x3FB6] =	sst s10  }
0x38: {  	s10 =	sld [smem:$0x3FB7]  }
0x39: {  	_ = 	snop;
	(pc) =	sbr.ind lr, $3  }
0x3a: {  	_ = 	snop  }
0x3b: {  	_ = 	snop  }
0x3c: {  	p2 =	seq.s32 s10, $0x1;
	s10 =	sld [smem:$0x3FB6]  }
0x3d: {  	_ =	shalt  }
0x3e: {  	_ =	shalt  }
0x3f: {  	_ =	shalt  }
0x40: {  	_ =	shalt  }
0x41: {  	_ =	shalt  }
0x42: {  	_ =	shalt  }
0x43: {  	_ =	shalt  }
0x44: {  	_ =	shalt  }
0x45: {  	_ =	shalt  }
0x46: {  	_ =	shalt  }
0x47: {  	_ =	shalt  }
0x48: {  	_ =	shalt  }
0x49: {  	_ =	shalt  }
0x4a: {  	_ =	shalt  }
0x4b: {  	_ =	shalt  }
0x4c: {  	_ =	shalt  }
0x4d: {  	_ =	shalt  }
0x4e: {  	_ =	shalt  }
0x4f: {  	_ =	shalt  }
0x50: {  	_ =	shalt  }
0x51: {  	_ =	shalt  }
0x52: {  	_ =	shalt  }
0x53: {  	_ =	shalt  }
0x54: {  	_ =	shalt  }
0x55: {  	_ =	shalt  }
0x56: {  	_ =	shalt  }
0x57: {  	_ =	shalt  }
0x58: {  	_ =	shalt  }
0x59: {  	_ =	shalt  }
0x5a: {  	_ =	shalt  }
0x5b: {  	_ =	shalt  }
0x5c: {  	_ =	shalt  }
0x5d: {  	_ =	shalt  }
0x5e: {  	_ =	shalt  }
0x5f: {  	_ =	shalt  }
0x60: {  	_ =	shalt  }
0x61: {  	_ =	shalt  }
0x62: {  	_ =	shalt  }
0x63: {  	_ =	shalt  }
0x64: {  	_ =	shalt  }
0x65: {  	_ =	shalt  }
0x66: {  	_ =	shalt  }
0x67: {  	_ =	shalt  }
0x68: {  	_ =	shalt  }
0x69: {  	_ =	shalt  }
0x6a: {  	_ =	shalt  }
0x6b: {  	_ =	shalt  }
0x6c: {  	_ =	shalt  }
0x6d: {  	_ =	shalt  }
0x6e: {  	_ =	shalt  }
0x6f: {  	_ =	shalt  }
0x70: {  	_ =	shalt  }
0x71: {  	_ =	shalt  }
0x72: {  	_ =	shalt  }
0x73: {  	_ =	shalt  }
0x74: {  	_ =	shalt  }
0x75: {  	_ =	shalt  }
0x76: {  	_ =	shalt  }
0x77: {  	_ =	shalt  }
0x78: {  	_ =	shalt  }
0x79: {  	_ =	shalt  }
0x7a: {  	_ =	shalt  }
0x7b: {  	_ =	shalt  }
0x7c: {  	_ =	shalt  }
0x7d: {  	_ =	shalt  }
0x7e: {  	_ =	shalt  }
0x7f: {  	_ =	shalt  }
0x80: {  	_ =	shalt  }
0x81: {  	_ =	shalt  }
0x82: {  	_ =	shalt  }
0x83: {  	_ =	shalt  }
0x84: {  	_ =	shalt  }
0x85: {  	_ =	shalt  }
0x86: {  	_ =	shalt  }
0x87: {  	_ =	shalt  }
.Lfunc_end0:
.L_simem_size_0:
called_computation.1_lowered:
.L_overlay_start_0:
0x88: {  	s2 =	sld [smem:$0x3FD9]  }
0x89: {  	s3 =	sld [smem:$0x3FFE];
	_ =	sdelay $0x1  }
0x8a: {  	s1 =	srdreg.scid  }
0x8b: {  	s0 =	sand.u32 $0x1, s1  }
0x8c: {  	s17 =	sshll.u32 s0, $0xA;
	s2 =	sadd.s32 s3, s2  }
0x8d: {  	s2 =	sadd.s32 s2, s17  }
0x8e: {  	[smem:$0x3FC2] =	sst s2  }
0x8f: {  	_ = 	snop  }
0x90: {  	(tm) =	ssettm $0x1  }
0x91: {  	s18 =	sld [smem:$0x3FFB];
	_ =	sdelay $0x3  }
0x92: {  	_ =	strace s18  }
0x93: {  	s2 =	sld [smem:$0x3FFC];
	_ =	sdelay $0x3  }
0x94: {  	_ =	strace s2  }
0x95: {  	s2 =	sld [smem:$0x3FFD];
	_ =	sdelay $0x3  }
0x96: {  	_ =	strace s2  }
0x97: {  	_ =	strace $0x8FFFFFFF  }
0x98: {  	s19 =	sld [smem:$0x3FDB];
	_ =	sdelay $0x1  }
0x99: {  	s20 =	simm.s32 $_scs_section_size  }
0x9a: {  	s4 =	simm.s32 $_size__tile_overlayer_lowered;
	s5 =	simm.s32 $_tile_overlayer_lowered  }
0x9b: {  	s6 =	simm.s32 $0x1BFF;
	s21 =	sshll.u32 s5, $0x1;
	s3 =	sadd.s32 s20, s19  }
0x9c: {  	s22 =	simm.s32 $0x0;
	s4 =	sshll.u32 s4, $0x1;
	s5 =	sadd.s32 s21, s3  }
0x9d: {  	[timem:s22], [sflag:s6] =	dma.local [hbm:s5], s4  }
0x9e: {  	_ =	swait.ge [sflag:s6], s4  }
0x9f: {  	s4 =	ssub.s32 $0x0, s4;
	[sflag:s6] =	ssyncset.done $0x0  }
0xa0: {  	[sflag:s6] =	ssyncadd.s32 s4;
	_ =	sdelay $0x1  }
0xa1: {  	s23 =	simm.s32 $0x1B8B  }
0xa2: {  	_ =	swait.ge [sflag:s23], $0x1  }
0xa3: {  	[sflag:s23] =	ssyncset.done $0x0  }
0xa4: {  	[sflag:s23] =	ssyncadd.s32 $0xFFFFFFFF  }
0xa5: {  	s4 =	sld [smem:$0x0]  }
0xa6: {  	s5 =	sand.u32 $0xFFFFFFFE, s1  }
0xa7: {  	p0 =	sne.s32 s1, s5  }
0xa8: {  	s5 =	sshll.u32 @p0 s5, $0xE  }
0xa9: {  	s5 =	sadd.s32 @p0 $0x11B8D, s5;
	s6 =	sshll.u32 @p0 s4, $0x11  }
0xaa: {  	s5 =	sor.u32 @p0 s6, s5  }
0xab: {  	[sflag:s5] =	ssyncadd.remote.s32 @p0 $0x1;
	_ =	sdelay $0x1  }
0xac: {  	s5 =	simm.s32 @p0 $0x1B8D  }
0xad: {  	_ =	swait.eq @p0 [sflag:s5], $0x1  }
0xae: {  	[sflag:s5] =	ssyncadd.s32 @p0 $0xFFFFFFFF  }
0xaf: {  	s6 =	sshll.u32 @!p0 s1, $0xE  }
0xb0: {  	s6 =	sor.u32 @!p0 $0x4000, s6;
	s5 =	simm.s32 @!p0 $0x1B8D  }
0xb1: {  	s4 =	sshll.u32 @!p0 s4, $0x11;
	s6 =	sadd.s32 @!p0 $0x11B8D, s6;
	_ =	swait.eq @!p0 [sflag:s5], $0x1  }
0xb2: {  	s4 =	sor.u32 @!p0 s4, s6;
	[sflag:s5] =	ssyncadd.s32 @!p0 $0xFFFFFFFF  }
0xb3: {  	s25 =	simm.s32 $0x1B8E;
	s24 =	sld [smem:$0x3FFE];
	[sflag:s4] =	ssyncadd.remote.s32 @!p0 $0x1  }
0xb4: {  	s26 =	simm.s32 $execute0_lowered;
	[smem:$0x3FD2] =	sst s25  }
0xb5: {  	s5 =	sshll.u32 s26, $0x1;
	_ =	strace $0x80000049;
	[dreg:$0x1] =	wrdreg $0xFFFFFFFF  }
0xb6: {  	s28 =	simm.s32 $_size_execute0_lowered;
	s3 =	sadd.s32 s3, s5;
	[dreg:$0x0] =	wrdreg $0x0  }
0xb7: {  	s5 =	sshll.u32 s28, $0x1;
	[dreg:$0x2] =	wrdreg s3  }
0xb8: {  	[dreg:$0x3] =	wrdreg s5  }
0xb9: {  	[dreg:$0x4] =	wrdreg $0xC0  }
0xba: {  	_ =	task [dreg:s22], $0x5FFFF  }
0xbb: {  	[dreg:$0x1] =	wrdreg $0xFFFFFFFF  }
0xbc: {  	[dreg:$0x0] =	wrdreg $0x60  }
0xbd: {  	[dreg:$0x2] =	wrdreg s24  }
0xbe: {  	[dreg:$0x3] =	wrdreg $0xA  }
0xbf: {  	_ =	task.clear_ibuf [dreg:s22], $0x4FFFF;
	_ =	strace $0x90000049  }
0xc0: {  	s29 =	simm.s32 $0xA;
	_ =	strace $0x8000004B  }
0xc1: {  	_ =	swait.ge [sflag:s29], $0x1  }
0xc2: {  	[sflag:s29] =	ssyncadd.s32 $0xFFFFFFFF  }
0xc3: {  	_ =	strace $0x9000004B  }
0xc4: {  	_ =	sfence  }
0xc5: {  	s30 =	sld [smem:$0x0];
	_ =	sdelay $0x2  }
0xc6: {  	s31 =	sshll.u32 s1, $0xD;
	s1 =	sshrl.u32 s1, $0x2  }
0xc7: {  	s4 =	sand.u32 $0x4000, s31;
	s1 =	sadd.s32 s1, s30  }
0xc8: {  	s0 =	sor.u32 s4, s0;
	s1 =	sshll.u32 s1, $0x11  }
0xc9: {  	s0 =	sor.u32 s1, s0  }
0xca: {  	s0 =	sadd.s32 $0x8F2B, s0  }
0xcb: {  	[sflag:s0] =	ssyncadd.remote.s32 $0x1  }
0xcc: {  	_ =	sfence.sel $0xFFFF  }
0xcd: {  	[dreg:$0x0] =	wrdreg $0xFFFFFFFF;
	(pc) =	sbr.abs _section_cstart, $3  }
0xce: {  	[dreg:$0x1] =	wrdreg $0xFFFFFFFF  }
0xcf: {  	_ =	task.clear_ibuf [dreg:s22], $0x2FFFF;
	_ =	strace $0x9FFFFFFF  }
0xd0: {  	(tm) =	ssettm $0x7FFFFFFF  }
0xd1: {  	_ =	shalt  }
tec
execute0_lowered:
.L_overlay_start_1:
0x0: {  	(tag) =	ssettag $0x1  }
0x1: {  	s5 =	rddreg [dreg:$0x0];
	s2 =	srdreg.scid  }
0x2: {  	s0 =	rddreg [dreg:$0x1];
	s1 =	stileid.u32  }
0x3: {  	s9 =	simm.s32 $0x8000;
	s10 =	simm.s32 $0x2;
	s11 =	simm.s32 $0x80  }
0x4: {  	s12 =	simm.s32 $0x500;
	s13 =	simm.s32 $0x1;
	s14 =	simm.s32 $0x4500  }
0x5: {  	s15 =	simm.s32 $0x0;
	s4 =	sand.u32 $0x1, s2;
	s2 =	simm.s32 $0x0  }
0x6: {  	s3 =	sshll.u32 s1, $0xB;
	s6 =	sshll.u32 s4, $0xA;
	[smem:$0x7FF] =	sst s2  }
0x7: {  	s7 =	ssub.s32 $0x2, s4;
	s4 =	sadd.s32 $0x61A000, s5;
	s3 =	sor.u32 s6, s3  }
0x8: {  	_ =	strace $0x8000004A;
	s8 =	sshrl.u32 s7, $0x1;
	s6 =	sshrl.u32 s3, $0x3  }
0x9: {  	v1 =	vlaneseq.u32;
	s7 =	ssub.s32 s7, s8;
	s8 =	simm.s32 $0x400;
	s6 =	sadd.s32 s6, s5  }
0xa: {  	v0 =	vimm.s32 $0x0;
	v1 =	vmul.u32 $0x80, v1;
	s5 =	sadd.s32 $0xBF7800, s5;
	s7 =	smax.u32 s7, $0x1;
	s6 =	sadd.s32 $0x3800, s6  }
.LBB2_1:
0xb: {  	[tilespmem:s2], [sflag:$0x2] =	stream.strided.gather [hbm4b:s6+s8], $0x0, s9, s8, $0x38;
	[tilespmem:$0x6500] =	vst v63  }
0xc: {  	_ = 	snop  }
0xd: {  	[tilespmem:s2], [sflag:$0x2] =	stream.linear.gather [hbm4b:s6+s2], $0x380, $0x38;
	[tilespmem:$0x6500] =	vst v63  }
0xe: {  	_ =	swait.ge [sflag:s10], $0x380  }
0xf: {  	[sflag:s10] =	ssyncset.done $0x0  }
0x10: {  	s16 =	simm.s32 $0x0;
	[sflag:s10] =	ssyncadd.s32 $0xFFFFFC80  }
.LBB2_2:
0x11: {  	s17 =	sshll.u32 s16, $0x7  }
0x12: {  	s17 =	sand.u32 $0x3FFFFF80, s17  }
0x13: {  	v2 =	vld [tilespmem:s17+$0x0];
	_ =	sdelay $0x3  }
0x14: {  	s18 =	smul.u32 $0xD680, s16  }
0x15: {  	vm0 =	vgt.s32 v2, $0xC2FF  }
0x16: {  	v2 =	vadd.s32 s18, v2;
	v3 =	vsel vm0, $0xFFFF3D00, v0  }
0x17: {  	v2 =	vadd.s32 v3, v2  }
0x18: {  	[tilespmem:$0x400] =	vst v2;
	v2 =	vsel vm0, $0x40, v0  }
0x19: {  	[tilespmem:$0x480] =	vst v2  }
0x1a: {  	v2 =	vld [tilespmem:s17+$0x10];
	_ =	sdelay $0x4  }
0x1b: {  	vm9 =	vgt.s32 v2, $0xC2FF  }
0x1c: {  	v2 =	vadd.s32 s18, v2;
	v3 =	vsel vm9, $0xFFFF3D00, v0  }
0x1d: {  	v2 =	vadd.s32 v3, v2  }
0x1e: {  	[tilespmem:$0x410] =	vst v2;
	v2 =	vsel vm9, $0x40, v0  }
0x1f: {  	[tilespmem:$0x490] =	vst v2  }
0x20: {  	v2 =	vld [tilespmem:s17+$0x20];
	_ =	sdelay $0x4  }
0x21: {  	vm10 =	vgt.s32 v2, $0xC2FF  }
0x22: {  	v2 =	vadd.s32 s18, v2;
	v3 =	vsel vm10, $0xFFFF3D00, v0  }
0x23: {  	v2 =	vadd.s32 v3, v2  }
0x24: {  	[tilespmem:$0x420] =	vst v2;
	v2 =	vsel vm10, $0x40, v0  }
0x25: {  	[tilespmem:$0x4A0] =	vst v2  }
0x26: {  	v2 =	vld [tilespmem:s17+$0x30];
	_ =	sdelay $0x4  }
0x27: {  	vm11 =	vgt.s32 v2, $0xC2FF  }
0x28: {  	v2 =	vadd.s32 s18, v2;
	v3 =	vsel vm11, $0xFFFF3D00, v0  }
0x29: {  	v2 =	vadd.s32 v3, v2  }
0x2a: {  	[tilespmem:$0x430] =	vst v2;
	v2 =	vsel vm11, $0x40, v0  }
0x2b: {  	[tilespmem:$0x4B0] =	vst v2  }
0x2c: {  	v2 =	vld [tilespmem:s17+$0x40];
	_ =	sdelay $0x4  }
0x2d: {  	vm12 =	vgt.s32 v2, $0xC2FF  }
0x2e: {  	v2 =	vadd.s32 s18, v2;
	v3 =	vsel vm12, $0xFFFF3D00, v0  }
0x2f: {  	v2 =	vadd.s32 v3, v2  }
0x30: {  	[tilespmem:$0x440] =	vst v2;
	v2 =	vsel vm12, $0x40, v0  }
0x31: {  	[tilespmem:$0x4C0] =	vst v2  }
0x32: {  	v2 =	vld [tilespmem:s17+$0x50];
	_ =	sdelay $0x4  }
0x33: {  	vm13 =	vgt.s32 v2, $0xC2FF  }
0x34: {  	v2 =	vadd.s32 s18, v2;
	v3 =	vsel vm13, $0xFFFF3D00, v0  }
0x35: {  	v2 =	vadd.s32 v3, v2  }
0x36: {  	[tilespmem:$0x450] =	vst v2;
	v2 =	vsel vm13, $0x40, v0  }
0x37: {  	[tilespmem:$0x4D0] =	vst v2  }
0x38: {  	v2 =	vld [tilespmem:s17+$0x60];
	_ =	sdelay $0x4  }
0x39: {  	vm14 =	vgt.s32 v2, $0xC2FF  }
0x3a: {  	v2 =	vadd.s32 s18, v2;
	v3 =	vsel vm14, $0xFFFF3D00, v0  }
0x3b: {  	v2 =	vadd.s32 v3, v2  }
0x3c: {  	[tilespmem:$0x460] =	vst v2;
	v2 =	vsel vm14, $0x40, v0  }
0x3d: {  	[tilespmem:$0x4E0] =	vst v2  }
0x3e: {  	v2 =	vld [tilespmem:s17+$0x70];
	_ =	sdelay $0x4  }
0x3f: {  	vm15 =	vgt.s32 v2, $0xC2FF  }
0x40: {  	v2 =	vadd.s32 s18, v2;
	v3 =	vsel vm15, $0xFFFF3D00, v0  }
0x41: {  	v2 =	vadd.s32 v3, v2  }
0x42: {  	[tilespmem:$0x470] =	vst v2;
	v2 =	vsel vm15, $0x40, v0  }
0x43: {  	[tilespmem:$0x4F0] =	vst v2  }
0x44: {  	[tilespmem:s12], [sflag:$0x1] =	stream.indirect.gather [hbm4b:s4+s11], $0x80, s8, s11, $0xb8;
	[tilespmem:$0x6500] =	vst v63  }
0x45: {  	_ =	swait.ge [sflag:s13], $0x4000  }
0x46: {  	s19 =	simm.s32 $0x0;
	[sflag:s13] =	ssyncset.done $0x0  }
0x47: {  	s17 =	simm.s32 $0x0;
	s18 =	simm.s32 $0x4500;
	[sflag:s13] =	ssyncadd.s32 $0xFFFFC000  }
.LBB2_3:
0x48: {  	s20 =	sshll.u32 s19, $0x4  }
0x49: {  	v3 =	vld [tilespmem:s20+$0x480];
	_ =	sdelay $0x3  }
0x4a: {  	v2 =	vmov s20  }
0x4b: {  	v2 =	vshll.u32 v2, $0x7;
	v4 =	vadd.s32 s17, v3  }
0x4c: {  	v2 =	vor.u32 v1, v2;
	v5 =	vand.u32 $0xFFFFFF80, v4  }
0x4d: {  	v4 =	vand.u32 $0x7F, v4;
	v5 =	vadd.s32 v2, v5  }
0x4e: {  	v4 =	vor.u32 v4, v5;
	_ =	sdelay $0x3  }
0x4f: {  	s30 =	simm.s32 $0x1  }
0x50: {  	v6 =	vld.idx.msk [tilespmem:v4+s12+$0x0], $0xffff;
	v4 =	vadd.s32 s30, v3  }
0x51: {  	v5 =	vand.u32 $0xFFFFFF80, v4  }
0x52: {  	v4 =	vand.u32 $0x7F, v4;
	v5 =	vadd.s32 v2, v5  }
0x53: {  	v4 =	vor.u32 v4, v5;
	_ =	sdelay $0x2  }
0x54: {  	s31 =	simm.s32 $0x2  }
0x55: {  	s21 =	simm.s32 $0x3;
	s20 =	smov.u32 s18;
	v5 =	vadd.s32 s31, v3;
	[tilespmem:s18+$0x0] =	vst v6  }
.LBB2_4:
0x56: {  	p0 =	sne.s32 s21, $0x3F;
	v6 =	vand.u32 $0xFFFFFF80, v5;
	v7 =	vld.idx.msk [tilespmem:v4+s12+$0x0], $0xffff  }
0x57: {  	v4 =	vand.u32 $0x7F, v5;
	v5 =	vadd.s32 v2, v6  }
.Ltmp0:
0x58: {  	v4 =	vor.u32 v4, v5;
	(pc) =	sbr.rel @p0 .LBB2_4-.Ltmp0, $3  }
0x59: {  	_ =	sdelay $0x1  }
0x5a: {  	s20 =	sadd.s32 $0x80, s20  }
0x5b: {  	v5 =	vadd.s32 s21, v3;
	s21 =	sadd.s32 $0x1, s21;
	[tilespmem:s20+$0x0] =	vst v7  }
0x5c: {  	_ =	sdelay $0x2  }
0x5d: {  	v3 =	vand.u32 $0xFFFFFF80, v5  }
0x5e: {  	v4 =	vld.idx.msk [tilespmem:v4+s12+$0x0], $0xffff;
	v63 =	vand.u32 $0x7F, v5;
	v2 =	vadd.s32 v2, v3  }
0x5f: {  	v2 =	vor.u32 v63, v2;
	_ =	sdelay $0x2  }
0x60: {  	s20 =	sadd.s32 $0x80, s20  }
0x61: {  	s19 =	sadd.s32 $0x1, s19;
	[tilespmem:s20+$0x0] =	vst v4  }
0x62: {  	p0 =	sne.s32 s19, $0x8;
	v2 =	vld.idx.msk [tilespmem:v2+s12+$0x0], $0xffff  }
.Ltmp1:
0x63: {  	_ = 	snop;
	(pc) =	sbr.rel @p0 .LBB2_3-.Ltmp1, $3  }
0x64: {  	_ =	sdelay $0x1  }
0x65: {  	s20 =	sadd.s32 $0x80, s20  }
0x66: {  	s18 =	sadd.s32 $0x10, s18;
	[tilespmem:s20+$0x0] =	vst v2  }
0x67: {  	s17 =	sshll.u32 s16, $0x12  }
0x68: {  	s16 =	sadd.s32 $0x1, s16;
	s17 =	sor.u32 s3, s17  }
0x69: {  	p0 =	sne.s32 s16, $0x7;
	s17 =	sshrl.u32 s17, $0x3  }
.Ltmp2:
0x6a: {  	s17 =	sadd.s32 s5, s17;
	(pc) =	sbr.rel @p0 .LBB2_2-.Ltmp2, $4  }
0x6b: {  	[hbm4b:s17+s8] =	stream.strided.scatter [tilespmem:s14], [sflag:$0x2], $0x2000, s9, s8, $0x38;
	[tilespmem:$0x6500] =	vst v63  }
0x6c: {  	_ =	swait.ge [sflag:s10], $0x2000  }
0x6d: {  	[sflag:s10] =	ssyncset.done $0x0  }
0x6e: {  	[sflag:s10] =	ssyncadd.s32 $0xFFFFE000  }
0x6f: {  	s15 =	sadd.s32 $0x1, s15  }
0x70: {  	p0 =	sne.s32 s15, s7  }
.Ltmp3:
0x71: {  	_ = 	snop;
	(pc) =	sbr.rel @p0 .LBB2_1-.Ltmp3, $1  }
0x72: {  	_ =	sdelay $0x3  }
0x73: {  	_ =	sfence.sel $0x180000  }
0x74: {  	[bflag:$0x0] =	sbarrier.arrive $0xFFFF  }
0x75: {  	p0 =	sne.s32 s1, $0x0;
	_ =	strace $0x9000004A  }
0x76: {  	s0 =	sadd.s32 @!p0 $0x100000, s0;
	[bflag:$0x2] =	sbarrier.arrive $0xFFFF  }
0x77: {  	[sflag:s0] =	ssyncadd.tile.s32 @!p0 $0x1;
	_ =	shalt  }
.Lfunc_end2:
_tile_overlayer_lowered:
.L_overlay_start_2:
0x78: {  	(tag) =	ssettag $0x2  }
0x79: {  	s0 =	rddreg [dreg:$0x0];
	s2 =	stileid.u32  }
0x7a: {  	s1 =	rddreg [dreg:$0x1];
	p0 =	sne.s32 s2, $0x0  }
0x7b: {  	s3 =	rddreg [dreg:$0x2];
	[bflag:$0x3] =	sbarrier.arrive $0xFFFF;
	s2 =	simm.s32 @!p0 $0x1C02  }
0x7c: {  	[timem:s3], [sflag:s2] =	dma.local @!p0 [hbm:s0], s1  }
0x7d: {  	s0 =	simm.s32 @!p0 $0x2  }
0x7e: {  	_ =	swait.ge @!p0 [sflag:s0], s1  }
0x7f: {  	s1 =	ssub.s32 @!p0 $0x0, s1;
	[sflag:s0] =	ssyncset.done @!p0 $0x0  }
0x80: {  	[sflag:s0] =	ssyncadd.s32 @!p0 s1  }
0x81: {  	[bflag:$0x3] =	sbarrier.arrive $0xFFFF  }
0x82: {  	_ =	shalt  }

// kernel: kernel.17.cloned.1.call-start
scs
__scs_entry_jumppad:
0x0: {  	(pc) =	sbr.rel $0x88, $3  }
0x1: {  	(tag) =	ssettag $0x0;
	lr =	simm.s32 $0x1  }
0x2: {  	[smem:$0x3F9B] =	sst lr;
	_ =	strace $0xD0000000  }
0x3: {  	_ = 	snop  }
0x4: {  	_ = 	snop  }
0x5: {  	_ = 	snop  }
0x6: {  	_ = 	snop  }
0x7: {  	_ = 	snop  }
__scs_overlays_trampoline_lowered:
0x8: {  	[smem:$0x3FAA] =	sst s0  }
0x9: {  	[smem:$0x3FAB] =	sst s1  }
0xa: {  	[smem:$0x3FAC] =	sst s2  }
0xb: {  	[smem:$0x3FAD] =	sst s3  }
0xc: {  	[smem:$0x3FAE] =	sst s4  }
0xd: {  	[smem:$0x3FAF] =	sst s5  }
0xe: {  	[smem:$0x3FB0] =	sst s6  }
0xf: {  	[smem:$0x3FB1] =	sst s7  }
0x10: {  	[smem:$0x3FB2] =	sst s8  }
0x11: {  	[smem:$0x3FB3] =	sst s9;
	s0 =	simm.s32 @!p0 $0x0  }
0x12: {  	s1 =	sld [smem:$0x3F99];
	s0 =	simm.s32 @p0 $0x1  }
0x13: {  	[smem:$0x3FB4] =	sst s0;
	s0 =	simm.s32 @!p1 $0x0  }
0x14: {  	s2 =	sld [smem:$0x3F98];
	s0 =	simm.s32 @p1 $0x1  }
0x15: {  	[smem:$0x3FB5] =	sst s0;
	s0 =	simm.s32 @!p2 $0x0  }
0x16: {  	s3 =	sld [smem:$0x3FDB];
	s0 =	simm.s32 @p2 $0x1  }
0x17: {  	s4 =	simm.s32 $0x1BF5;
	[smem:$0x3FB7] =	sst s0  }
0x18: {  	s0 =	sld [smem:$0x3F9A];
	_ =	swait.ge [sflag:s4], $0x0  }
0x19: {  	s7 =	sld [smem:$0x3F9B]  }
0x1a: {  	s8 =	sadd.s32 $0xFFFFE003, lr  }
0x1b: {  	s9 =	sadd.s32 $0xFFFFFEF7, lr;
	s5 =	simm.s32 $0xFFFFFFFF;
	p2 =	slt.u32 s8, $0xFFFFF086  }
0x1c: {  	p1 =	slt.u32 s9, $0xF7A;
	s5 =	simm.s32 @!p2 $0x0  }
0x1d: {  	s5 =	simm.s32 @p1 $0x1;
	p0 =	seq.s32 s7, s2  }
0x1e: {  	s7 =	smul.u32 @!p0 $0xF7A, s2;
	p2 =	seq.s32 @!p0 s5, $0x0  }
0x1f: {  	s9 =	smul.u32 $0xF7A, s1;
	s8 =	simm.s32 @!p0 $0x1BF5;
	p2 =	por !p2, p0  }
0x20: {  	[sflag:s8] =	ssyncset.s32 @!p0 $0xFFFFF086;
	s6 =	sadd.s32 @!p0 s3, s7;
	s7 =	simm.s32 @!p0 $0x108  }
0x21: {  	s3 =	sadd.s32 s3, s9;
	s6 =	sadd.s32 @!p0 $0x88, s6;
	s7 =	simm.s32 @p2 $0x1082  }
0x22: {  	[simem:s7], [sflag:s8] =	dma.local @!p0 [hbm:s6], $0xF7A  }
0x23: {  	s9 =	sor.u32 $0xD0000000, s2;
	s6 =	simm.s32 $0x108;
	_ =	swait.ge @!p0 [sflag:s8], $0x0  }
0x24: {  	s3 =	sadd.s32 $0x88, s3;
	s6 =	simm.s32 @!p1 $0x1082;
	[sflag:s4] =	ssyncset.s32 $0xFFFFF086  }
0x25: {  	[simem:s6], [sflag:s4] =	dma.local [hbm:s3], $0xF7A  }
0x26: {  	[smem:$0x3F9B] =	sst s1;
	(tag) =	ssettag s2;
	_ =	strace s9  }
0x27: {  	s1 =	sld [smem:$0x3FAB]  }
0x28: {  	s2 =	sld [smem:$0x3FAC]  }
0x29: {  	s4 =	sld [smem:$0x3FAE]  }
0x2a: {  	p0 =	seq.s32 s5, $0x0;
	s5 =	sld [smem:$0x3FAF]  }
0x2b: {  	s6 =	sld [smem:$0x3FB0]  }
0x2c: {  	s7 =	sld [smem:$0x3FB1]  }
0x2d: {  	s3 =	simm.s32 $0x108;
	s8 =	sld [smem:$0x3FB2]  }
0x2e: {  	s3 =	simm.s32 @!p0 $0x1082;
	s9 =	sld [smem:$0x3FB3]  }
0x2f: {  	lr =	sadd.s32 s0, s3;
	s0 =	sld [smem:$0x3FAA]  }
0x30: {  	s3 =	sld [smem:$0x3FAD]  }
0x31: {  	[smem:$0x3FB6] =	sst s10  }
0x32: {  	s10 =	sld [smem:$0x3FB4];
	_ =	sdelay $0x3  }
0x33: {  	p0 =	seq.s32 s10, $0x1;
	s10 =	sld [smem:$0x3FB6];
	_ =	sdelay $0x3  }
0x34: {  	[smem:$0x3FB6] =	sst s10  }
0x35: {  	s10 =	sld [smem:$0x3FB5];
	_ =	sdelay $0x3  }
0x36: {  	p1 =	seq.s32 s10, $0x1;
	s10 =	sld [smem:$0x3FB6];
	_ =	sdelay $0x3  }
0x37: {  	[smem:$0x3FB6] =	sst s10  }
0x38: {  	s10 =	sld [smem:$0x3FB7]  }
0x39: {  	_ = 	snop;
	(pc) =	sbr.ind lr, $3  }
0x3a: {  	_ = 	snop  }
0x3b: {  	_ = 	snop  }
0x3c: {  	p2 =	seq.s32 s10, $0x1;
	s10 =	sld [smem:$0x3FB6]  }
0x3d: {  	_ =	shalt  }
0x3e: {  	_ =	shalt  }
0x3f: {  	_ =	shalt  }
0x40: {  	_ =	shalt  }
0x41: {  	_ =	shalt  }
0x42: {  	_ =	shalt  }
0x43: {  	_ =	shalt  }
0x44: {  	_ =	shalt  }
0x45: {  	_ =	shalt  }
0x46: {  	_ =	shalt  }
0x47: {  	_ =	shalt  }
0x48: {  	_ =	shalt  }
0x49: {  	_ =	shalt  }
0x4a: {  	_ =	shalt  }
0x4b: {  	_ =	shalt  }
0x4c: {  	_ =	shalt  }
0x4d: {  	_ =	shalt  }
0x4e: {  	_ =	shalt  }
0x4f: {  	_ =	shalt  }
0x50: {  	_ =	shalt  }
0x51: {  	_ =	shalt  }
0x52: {  	_ =	shalt  }
0x53: {  	_ =	shalt  }
0x54: {  	_ =	shalt  }
0x55: {  	_ =	shalt  }
0x56: {  	_ =	shalt  }
0x57: {  	_ =	shalt  }
0x58: {  	_ =	shalt  }
0x59: {  	_ =	shalt  }
0x5a: {  	_ =	shalt  }
0x5b: {  	_ =	shalt  }
0x5c: {  	_ =	shalt  }
0x5d: {  	_ =	shalt  }
0x5e: {  	_ =	shalt  }
0x5f: {  	_ =	shalt  }
0x60: {  	_ =	shalt  }
0x61: {  	_ =	shalt  }
0x62: {  	_ =	shalt  }
0x63: {  	_ =	shalt  }
0x64: {  	_ =	shalt  }
0x65: {  	_ =	shalt  }
0x66: {  	_ =	shalt  }
0x67: {  	_ =	shalt  }
0x68: {  	_ =	shalt  }
0x69: {  	_ =	shalt  }
0x6a: {  	_ =	shalt  }
0x6b: {  	_ =	shalt  }
0x6c: {  	_ =	shalt  }
0x6d: {  	_ =	shalt  }
0x6e: {  	_ =	shalt  }
0x6f: {  	_ =	shalt  }
0x70: {  	_ =	shalt  }
0x71: {  	_ =	shalt  }
0x72: {  	_ =	shalt  }
0x73: {  	_ =	shalt  }
0x74: {  	_ =	shalt  }
0x75: {  	_ =	shalt  }
0x76: {  	_ =	shalt  }
0x77: {  	_ =	shalt  }
0x78: {  	_ =	shalt  }
0x79: {  	_ =	shalt  }
0x7a: {  	_ =	shalt  }
0x7b: {  	_ =	shalt  }
0x7c: {  	_ =	shalt  }
0x7d: {  	_ =	shalt  }
0x7e: {  	_ =	shalt  }
0x7f: {  	_ =	shalt  }
0x80: {  	_ =	shalt  }
0x81: {  	_ =	shalt  }
0x82: {  	_ =	shalt  }
0x83: {  	_ =	shalt  }
0x84: {  	_ =	shalt  }
0x85: {  	_ =	shalt  }
0x86: {  	_ =	shalt  }
0x87: {  	_ =	shalt  }
.Lfunc_end0:
.L_simem_size_0:
called_computation.2_lowered:
.L_overlay_start_0:
0x88: {  	s2 =	sld [smem:$0x3FD9]  }
0x89: {  	s3 =	sld [smem:$0x3FFE];
	_ =	sdelay $0x1  }
0x8a: {  	s1 =	srdreg.scid  }
0x8b: {  	s0 =	sand.u32 $0x1, s1  }
0x8c: {  	s17 =	sshll.u32 s0, $0xA;
	s2 =	sadd.s32 s3, s2  }
0x8d: {  	s2 =	sadd.s32 s2, s17  }
0x8e: {  	[smem:$0x3FC2] =	sst s2  }
0x8f: {  	_ = 	snop  }
0x90: {  	(tm) =	ssettm $0x1  }
0x91: {  	s18 =	sld [smem:$0x3FFB];
	_ =	sdelay $0x3  }
0x92: {  	_ =	strace s18  }
0x93: {  	s2 =	sld [smem:$0x3FFC];
	_ =	sdelay $0x3  }
0x94: {  	_ =	strace s2  }
0x95: {  	s2 =	sld [smem:$0x3FFD];
	_ =	sdelay $0x3  }
0x96: {  	_ =	strace s2  }
0x97: {  	_ =	strace $0x8FFFFFFF  }
0x98: {  	s19 =	sld [smem:$0x3FDB];
	_ =	sdelay $0x1  }
0x99: {  	s20 =	simm.s32 $_scs_section_size  }
0x9a: {  	s4 =	simm.s32 $_size__tile_overlayer_lowered;
	s5 =	simm.s32 $_tile_overlayer_lowered  }
0x9b: {  	s6 =	simm.s32 $0x1BFF;
	s21 =	sshll.u32 s5, $0x1;
	s3 =	sadd.s32 s20, s19  }
0x9c: {  	s22 =	simm.s32 $0x0;
	s4 =	sshll.u32 s4, $0x1;
	s5 =	sadd.s32 s21, s3  }
0x9d: {  	[timem:s22], [sflag:s6] =	dma.local [hbm:s5], s4  }
0x9e: {  	_ =	swait.ge [sflag:s6], s4  }
0x9f: {  	s4 =	ssub.s32 $0x0, s4;
	[sflag:s6] =	ssyncset.done $0x0  }
0xa0: {  	[sflag:s6] =	ssyncadd.s32 s4;
	_ =	sdelay $0x1  }
0xa1: {  	s23 =	simm.s32 $0x1B8B  }
0xa2: {  	_ =	swait.ge [sflag:s23], $0x1  }
0xa3: {  	[sflag:s23] =	ssyncset.done $0x0  }
0xa4: {  	[sflag:s23] =	ssyncadd.s32 $0xFFFFFFFF  }
0xa5: {  	s4 =	sld [smem:$0x0]  }
0xa6: {  	s5 =	sand.u32 $0xFFFFFFFE, s1  }
0xa7: {  	p0 =	sne.s32 s1, s5  }
0xa8: {  	s5 =	sshll.u32 @p0 s5, $0xE  }
0xa9: {  	s5 =	sadd.s32 @p0 $0x11B8D, s5;
	s6 =	sshll.u32 @p0 s4, $0x11  }
0xaa: {  	s5 =	sor.u32 @p0 s6, s5  }
0xab: {  	[sflag:s5] =	ssyncadd.remote.s32 @p0 $0x1;
	_ =	sdelay $0x1  }
0xac: {  	s5 =	simm.s32 @p0 $0x1B8D  }
0xad: {  	_ =	swait.eq @p0 [sflag:s5], $0x1  }
0xae: {  	[sflag:s5] =	ssyncadd.s32 @p0 $0xFFFFFFFF  }
0xaf: {  	s6 =	sshll.u32 @!p0 s1, $0xE  }
0xb0: {  	s6 =	sor.u32 @!p0 $0x4000, s6;
	s5 =	simm.s32 @!p0 $0x1B8D  }
0xb1: {  	s4 =	sshll.u32 @!p0 s4, $0x11;
	s6 =	sadd.s32 @!p0 $0x11B8D, s6;
	_ =	swait.eq @!p0 [sflag:s5], $0x1  }
0xb2: {  	s4 =	sor.u32 @!p0 s4, s6;
	[sflag:s5] =	ssyncadd.s32 @!p0 $0xFFFFFFFF  }
0xb3: {  	s25 =	simm.s32 $0x1B8E;
	s24 =	sld [smem:$0x3FFE];
	[sflag:s4] =	ssyncadd.remote.s32 @!p0 $0x1  }
0xb4: {  	s26 =	simm.s32 $execute0_lowered;
	[smem:$0x3FD2] =	sst s25  }
0xb5: {  	s5 =	sshll.u32 s26, $0x1;
	_ =	strace $0x8000004C;
	[dreg:$0x1] =	wrdreg $0xFFFFFFFF  }
0xb6: {  	s28 =	simm.s32 $_size_execute0_lowered;
	s3 =	sadd.s32 s3, s5;
	[dreg:$0x0] =	wrdreg $0x0  }
0xb7: {  	s5 =	sshll.u32 s28, $0x1;
	[dreg:$0x2] =	wrdreg s3  }
0xb8: {  	[dreg:$0x3] =	wrdreg s5  }
0xb9: {  	[dreg:$0x4] =	wrdreg $0xC0  }
0xba: {  	_ =	task [dreg:s22], $0x5FFFF  }
0xbb: {  	[dreg:$0x1] =	wrdreg $0xFFFFFFFF  }
0xbc: {  	[dreg:$0x0] =	wrdreg $0x60  }
0xbd: {  	[dreg:$0x2] =	wrdreg s24  }
0xbe: {  	[dreg:$0x3] =	wrdreg $0xB  }
0xbf: {  	_ =	task.clear_ibuf [dreg:s22], $0x4FFFF;
	_ =	strace $0x9000004C  }
0xc0: {  	s29 =	simm.s32 $0xB;
	_ =	strace $0x8000004E  }
0xc1: {  	_ =	swait.ge [sflag:s29], $0x1  }
0xc2: {  	[sflag:s29] =	ssyncadd.s32 $0xFFFFFFFF  }
0xc3: {  	_ =	strace $0x9000004E  }
0xc4: {  	_ =	sfence  }
0xc5: {  	s30 =	sld [smem:$0x0];
	_ =	sdelay $0x2  }
0xc6: {  	s31 =	sshll.u32 s1, $0xD;
	s1 =	sshrl.u32 s1, $0x2  }
0xc7: {  	s4 =	sand.u32 $0x4000, s31;
	s1 =	sadd.s32 s1, s30  }
0xc8: {  	s0 =	sor.u32 s4, s0;
	s1 =	sshll.u32 s1, $0x11  }
0xc9: {  	s0 =	sor.u32 s1, s0  }
0xca: {  	s0 =	sadd.s32 $0x8F2B, s0  }
0xcb: {  	[sflag:s0] =	ssyncadd.remote.s32 $0x1  }
0xcc: {  	_ =	sfence.sel $0xFFFF  }
0xcd: {  	[dreg:$0x0] =	wrdreg $0xFFFFFFFF;
	(pc) =	sbr.abs _section_cstart, $3  }
0xce: {  	[dreg:$0x1] =	wrdreg $0xFFFFFFFF  }
0xcf: {  	_ =	task.clear_ibuf [dreg:s22], $0x2FFFF;
	_ =	strace $0x9FFFFFFF  }
0xd0: {  	(tm) =	ssettm $0x7FFFFFFF  }
0xd1: {  	_ =	shalt  }
tec
execute0_lowered:
.L_overlay_start_1:
0x0: {  	(tag) =	ssettag $0x1  }
0x1: {  	s5 =	rddreg [dreg:$0x0];
	s2 =	srdreg.scid  }
0x2: {  	s0 =	rddreg [dreg:$0x1];
	s1 =	stileid.u32  }
0x3: {  	s9 =	simm.s32 $0x8000;
	s10 =	simm.s32 $0x2;
	s11 =	simm.s32 $0x80  }
0x4: {  	s12 =	simm.s32 $0x500;
	s13 =	simm.s32 $0x1;
	s14 =	simm.s32 $0x4500  }
0x5: {  	s15 =	simm.s32 $0x0;
	s4 =	sand.u32 $0x1, s2;
	s2 =	simm.s32 $0x0  }
0x6: {  	s3 =	sshll.u32 s1, $0xB;
	s6 =	sshll.u32 s4, $0xA;
	[smem:$0x7FF] =	sst s2  }
0x7: {  	s7 =	ssub.s32 $0x2, s4;
	s4 =	sadd.s32 $0xC2F800, s5;
	s3 =	sor.u32 s6, s3  }
0x8: {  	_ =	strace $0x8000004D;
	s8 =	sshrl.u32 s7, $0x1;
	s6 =	sshrl.u32 s3, $0x3  }
0x9: {  	v1 =	vlaneseq.u32;
	s7 =	ssub.s32 s7, s8;
	s8 =	simm.s32 $0x400;
	s6 =	sadd.s32 s6, s5  }
0xa: {  	v0 =	vimm.s32 $0x0;
	v1 =	vmul.u32 $0x80, v1;
	s5 =	sadd.s32 $0x1138800, s5;
	s7 =	smax.u32 s7, $0x1;
	s6 =	sadd.s32 $0x1136800, s6  }
.LBB2_1:
0xb: {  	[tilespmem:s2], [sflag:$0x2] =	stream.strided.gather [hbm4b:s6+s8], $0x0, s9, s8, $0x38;
	[tilespmem:$0x6500] =	vst v63  }
0xc: {  	_ = 	snop  }
0xd: {  	[tilespmem:s2], [sflag:$0x2] =	stream.linear.gather [hbm4b:s6+s2], $0x300, $0x38;
	[tilespmem:$0x6500] =	vst v63  }
0xe: {  	_ =	swait.ge [sflag:s10], $0x300  }
0xf: {  	[sflag:s10] =	ssyncset.done $0x0  }
0x10: {  	s16 =	simm.s32 $0x0;
	[sflag:s10] =	ssyncadd.s32 $0xFFFFFD00  }
.LBB2_2:
0x11: {  	s17 =	sshll.u32 s16, $0x7  }
0x12: {  	s17 =	sand.u32 $0x3FFFFF80, s17  }
0x13: {  	v2 =	vld [tilespmem:s17+$0x0];
	_ =	sdelay $0x3  }
0x14: {  	s18 =	smul.u32 $0xD680, s16  }
0x15: {  	vm0 =	vgt.s32 v2, $0xC2FF  }
0x16: {  	v2 =	vadd.s32 s18, v2;
	v3 =	vsel vm0, $0xFFFF3D00, v0  }
0x17: {  	v2 =	vadd.s32 v3, v2  }
0x18: {  	[tilespmem:$0x400] =	vst v2;
	v2 =	vsel vm0, $0x40, v0  }
0x19: {  	[tilespmem:$0x480] =	vst v2  }
0x1a: {  	v2 =	vld [tilespmem:s17+$0x10];
	_ =	sdelay $0x4  }
0x1b: {  	vm9 =	vgt.s32 v2, $0xC2FF  }
0x1c: {  	v2 =	vadd.s32 s18, v2;
	v3 =	vsel vm9, $0xFFFF3D00, v0  }
0x1d: {  	v2 =	vadd.s32 v3, v2  }
0x1e: {  	[tilespmem:$0x410] =	vst v2;
	v2 =	vsel vm9, $0x40, v0  }
0x1f: {  	[tilespmem:$0x490] =	vst v2  }
0x20: {  	v2 =	vld [tilespmem:s17+$0x20];
	_ =	sdelay $0x4  }
0x21: {  	vm10 =	vgt.s32 v2, $0xC2FF  }
0x22: {  	v2 =	vadd.s32 s18, v2;
	v3 =	vsel vm10, $0xFFFF3D00, v0  }
0x23: {  	v2 =	vadd.s32 v3, v2  }
0x24: {  	[tilespmem:$0x420] =	vst v2;
	v2 =	vsel vm10, $0x40, v0  }
0x25: {  	[tilespmem:$0x4A0] =	vst v2  }
0x26: {  	v2 =	vld [tilespmem:s17+$0x30];
	_ =	sdelay $0x4  }
0x27: {  	vm11 =	vgt.s32 v2, $0xC2FF  }
0x28: {  	v2 =	vadd.s32 s18, v2;
	v3 =	vsel vm11, $0xFFFF3D00, v0  }
0x29: {  	v2 =	vadd.s32 v3, v2  }
0x2a: {  	[tilespmem:$0x430] =	vst v2;
	v2 =	vsel vm11, $0x40, v0  }
0x2b: {  	[tilespmem:$0x4B0] =	vst v2  }
0x2c: {  	v2 =	vld [tilespmem:s17+$0x40];
	_ =	sdelay $0x4  }
0x2d: {  	vm12 =	vgt.s32 v2, $0xC2FF  }
0x2e: {  	v2 =	vadd.s32 s18, v2;
	v3 =	vsel vm12, $0xFFFF3D00, v0  }
0x2f: {  	v2 =	vadd.s32 v3, v2  }
0x30: {  	[tilespmem:$0x440] =	vst v2;
	v2 =	vsel vm12, $0x40, v0  }
0x31: {  	[tilespmem:$0x4C0] =	vst v2  }
0x32: {  	v2 =	vld [tilespmem:s17+$0x50];
	_ =	sdelay $0x4  }
0x33: {  	vm13 =	vgt.s32 v2, $0xC2FF  }
0x34: {  	v2 =	vadd.s32 s18, v2;
	v3 =	vsel vm13, $0xFFFF3D00, v0  }
0x35: {  	v2 =	vadd.s32 v3, v2  }
0x36: {  	[tilespmem:$0x450] =	vst v2;
	v2 =	vsel vm13, $0x40, v0  }
0x37: {  	[tilespmem:$0x4D0] =	vst v2  }
0x38: {  	v2 =	vld [tilespmem:s17+$0x60];
	_ =	sdelay $0x4  }
0x39: {  	vm14 =	vgt.s32 v2, $0xC2FF  }
0x3a: {  	v2 =	vadd.s32 s18, v2;
	v3 =	vsel vm14, $0xFFFF3D00, v0  }
0x3b: {  	v2 =	vadd.s32 v3, v2  }
0x3c: {  	[tilespmem:$0x460] =	vst v2;
	v2 =	vsel vm14, $0x40, v0  }
0x3d: {  	[tilespmem:$0x4E0] =	vst v2  }
0x3e: {  	v2 =	vld [tilespmem:s17+$0x70];
	_ =	sdelay $0x4  }
0x3f: {  	vm15 =	vgt.s32 v2, $0xC2FF  }
0x40: {  	v2 =	vadd.s32 s18, v2;
	v3 =	vsel vm15, $0xFFFF3D00, v0  }
0x41: {  	v2 =	vadd.s32 v3, v2  }
0x42: {  	[tilespmem:$0x470] =	vst v2;
	v2 =	vsel vm15, $0x40, v0  }
0x43: {  	[tilespmem:$0x4F0] =	vst v2  }
0x44: {  	[tilespmem:s12], [sflag:$0x1] =	stream.indirect.gather [hbm4b:s4+s11], $0x80, s8, s11, $0xb8;
	[tilespmem:$0x6500] =	vst v63  }
0x45: {  	_ =	swait.ge [sflag:s13], $0x4000  }
0x46: {  	s19 =	simm.s32 $0x0;
	[sflag:s13] =	ssyncset.done $0x0  }
0x47: {  	s17 =	simm.s32 $0x0;
	s18 =	simm.s32 $0x4500;
	[sflag:s13] =	ssyncadd.s32 $0xFFFFC000  }
.LBB2_3:
0x48: {  	s20 =	sshll.u32 s19, $0x4  }
0x49: {  	v3 =	vld [tilespmem:s20+$0x480];
	_ =	sdelay $0x3  }
0x4a: {  	v2 =	vmov s20  }
0x4b: {  	v2 =	vshll.u32 v2, $0x7;
	v4 =	vadd.s32 s17, v3  }
0x4c: {  	v2 =	vor.u32 v1, v2;
	v5 =	vand.u32 $0xFFFFFF80, v4  }
0x4d: {  	v4 =	vand.u32 $0x7F, v4;
	v5 =	vadd.s32 v2, v5  }
0x4e: {  	v4 =	vor.u32 v4, v5;
	_ =	sdelay $0x3  }
0x4f: {  	s30 =	simm.s32 $0x1  }
0x50: {  	v6 =	vld.idx.msk [tilespmem:v4+s12+$0x0], $0xffff;
	v4 =	vadd.s32 s30, v3  }
0x51: {  	v5 =	vand.u32 $0xFFFFFF80, v4  }
0x52: {  	v4 =	vand.u32 $0x7F, v4;
	v5 =	vadd.s32 v2, v5  }
0x53: {  	v4 =	vor.u32 v4, v5;
	_ =	sdelay $0x2  }
0x54: {  	s31 =	simm.s32 $0x2  }
0x55: {  	s21 =	simm.s32 $0x3;
	s20 =	smov.u32 s18;
	v5 =	vadd.s32 s31, v3;
	[tilespmem:s18+$0x0] =	vst v6  }
.LBB2_4:
0x56: {  	p0 =	sne.s32 s21, $0x3F;
	v6 =	vand.u32 $0xFFFFFF80, v5;
	v7 =	vld.idx.msk [tilespmem:v4+s12+$0x0], $0xffff  }
0x57: {  	v4 =	vand.u32 $0x7F, v5;
	v5 =	vadd.s32 v2, v6  }
.Ltmp0:
0x58: {  	v4 =	vor.u32 v4, v5;
	(pc) =	sbr.rel @p0 .LBB2_4-.Ltmp0, $3  }
0x59: {  	_ =	sdelay $0x1  }
0x5a: {  	s20 =	sadd.s32 $0x80, s20  }
0x5b: {  	v5 =	vadd.s32 s21, v3;
	s21 =	sadd.s32 $0x1, s21;
	[tilespmem:s20+$0x0] =	vst v7  }
0x5c: {  	_ =	sdelay $0x2  }
0x5d: {  	v3 =	vand.u32 $0xFFFFFF80, v5  }
0x5e: {  	v4 =	vld.idx.msk [tilespmem:v4+s12+$0x0], $0xffff;
	v63 =	vand.u32 $0x7F, v5;
	v2 =	vadd.s32 v2, v3  }
0x5f: {  	v2 =	vor.u32 v63, v2;
	_ =	sdelay $0x2  }
0x60: {  	s20 =	sadd.s32 $0x80, s20  }
0x61: {  	s19 =	sadd.s32 $0x1, s19;
	[tilespmem:s20+$0x0] =	vst v4  }
0x62: {  	p0 =	sne.s32 s19, $0x8;
	v2 =	vld.idx.msk [tilespmem:v2+s12+$0x0], $0xffff  }
.Ltmp1:
0x63: {  	_ = 	snop;
	(pc) =	sbr.rel @p0 .LBB2_3-.Ltmp1, $3  }
0x64: {  	_ =	sdelay $0x1  }
0x65: {  	s20 =	sadd.s32 $0x80, s20  }
0x66: {  	s18 =	sadd.s32 $0x10, s18;
	[tilespmem:s20+$0x0] =	vst v2  }
0x67: {  	s17 =	sshll.u32 s16, $0x12  }
0x68: {  	s16 =	sadd.s32 $0x1, s16;
	s17 =	sor.u32 s3, s17  }
0x69: {  	p0 =	sne.s32 s16, $0x6;
	s17 =	sshrl.u32 s17, $0x3  }
.Ltmp2:
0x6a: {  	s17 =	sadd.s32 s5, s17;
	(pc) =	sbr.rel @p0 .LBB2_2-.Ltmp2, $4  }
0x6b: {  	[hbm4b:s17+s8] =	stream.strided.scatter [tilespmem:s14], [sflag:$0x2], $0x2000, s9, s8, $0x38;
	[tilespmem:$0x6500] =	vst v63  }
0x6c: {  	_ =	swait.ge [sflag:s10], $0x2000  }
0x6d: {  	[sflag:s10] =	ssyncset.done $0x0  }
0x6e: {  	[sflag:s10] =	ssyncadd.s32 $0xFFFFE000  }
0x6f: {  	s15 =	sadd.s32 $0x1, s15  }
0x70: {  	p0 =	sne.s32 s15, s7  }
.Ltmp3:
0x71: {  	_ = 	snop;
	(pc) =	sbr.rel @p0 .LBB2_1-.Ltmp3, $1  }
0x72: {  	_ =	sdelay $0x3  }
0x73: {  	_ =	sfence.sel $0x180000  }
0x74: {  	[bflag:$0x0] =	sbarrier.arrive $0xFFFF  }
0x75: {  	p0 =	sne.s32 s1, $0x0;
	_ =	strace $0x9000004D  }
0x76: {  	s0 =	sadd.s32 @!p0 $0x100000, s0;
	[bflag:$0x2] =	sbarrier.arrive $0xFFFF  }
0x77: {  	[sflag:s0] =	ssyncadd.tile.s32 @!p0 $0x1;
	_ =	shalt  }
.Lfunc_end2:
_tile_overlayer_lowered:
.L_overlay_start_2:
0x78: {  	(tag) =	ssettag $0x2  }
0x79: {  	s0 =	rddreg [dreg:$0x0];
	s2 =	stileid.u32  }
0x7a: {  	s1 =	rddreg [dreg:$0x1];
	p0 =	sne.s32 s2, $0x0  }
0x7b: {  	s3 =	rddreg [dreg:$0x2];
	[bflag:$0x3] =	sbarrier.arrive $0xFFFF;
	s2 =	simm.s32 @!p0 $0x1C02  }
0x7c: {  	[timem:s3], [sflag:s2] =	dma.local @!p0 [hbm:s0], s1  }
0x7d: {  	s0 =	simm.s32 @!p0 $0x2  }
0x7e: {  	_ =	swait.ge @!p0 [sflag:s0], s1  }
0x7f: {  	s1 =	ssub.s32 @!p0 $0x0, s1;
	[sflag:s0] =	ssyncset.done @!p0 $0x0  }
0x80: {  	[sflag:s0] =	ssyncadd.s32 @!p0 s1  }
0x81: {  	[bflag:$0x3] =	sbarrier.arrive $0xFFFF  }
0x82: {  	_ =	shalt  }

// kernel: kernel.20.cloned.1.call-start
scs
__scs_entry_jumppad:
0x0: {  	(pc) =	sbr.rel $0x88, $3  }
0x1: {  	(tag) =	ssettag $0x0;
	lr =	simm.s32 $0x1  }
0x2: {  	[smem:$0x3F9B] =	sst lr;
	_ =	strace $0xD0000000  }
0x3: {  	_ = 	snop  }
0x4: {  	_ = 	snop  }
0x5: {  	_ = 	snop  }
0x6: {  	_ = 	snop  }
0x7: {  	_ = 	snop  }
__scs_overlays_trampoline_lowered:
0x8: {  	[smem:$0x3FAA] =	sst s0  }
0x9: {  	[smem:$0x3FAB] =	sst s1  }
0xa: {  	[smem:$0x3FAC] =	sst s2  }
0xb: {  	[smem:$0x3FAD] =	sst s3  }
0xc: {  	[smem:$0x3FAE] =	sst s4  }
0xd: {  	[smem:$0x3FAF] =	sst s5  }
0xe: {  	[smem:$0x3FB0] =	sst s6  }
0xf: {  	[smem:$0x3FB1] =	sst s7  }
0x10: {  	[smem:$0x3FB2] =	sst s8  }
0x11: {  	[smem:$0x3FB3] =	sst s9;
	s0 =	simm.s32 @!p0 $0x0  }
0x12: {  	s1 =	sld [smem:$0x3F99];
	s0 =	simm.s32 @p0 $0x1  }
0x13: {  	[smem:$0x3FB4] =	sst s0;
	s0 =	simm.s32 @!p1 $0x0  }
0x14: {  	s2 =	sld [smem:$0x3F98];
	s0 =	simm.s32 @p1 $0x1  }
0x15: {  	[smem:$0x3FB5] =	sst s0;
	s0 =	simm.s32 @!p2 $0x0  }
0x16: {  	s3 =	sld [smem:$0x3FDB];
	s0 =	simm.s32 @p2 $0x1  }
0x17: {  	s4 =	simm.s32 $0x1BF5;
	[smem:$0x3FB7] =	sst s0  }
0x18: {  	s0 =	sld [smem:$0x3F9A];
	_ =	swait.ge [sflag:s4], $0x0  }
0x19: {  	s7 =	sld [smem:$0x3F9B]  }
0x1a: {  	s8 =	sadd.s32 $0xFFFFE003, lr  }
0x1b: {  	s9 =	sadd.s32 $0xFFFFFEF7, lr;
	s5 =	simm.s32 $0xFFFFFFFF;
	p2 =	slt.u32 s8, $0xFFFFF086  }
0x1c: {  	p1 =	slt.u32 s9, $0xF7A;
	s5 =	simm.s32 @!p2 $0x0  }
0x1d: {  	s5 =	simm.s32 @p1 $0x1;
	p0 =	seq.s32 s7, s2  }
0x1e: {  	s7 =	smul.u32 @!p0 $0xF7A, s2;
	p2 =	seq.s32 @!p0 s5, $0x0  }
0x1f: {  	s9 =	smul.u32 $0xF7A, s1;
	s8 =	simm.s32 @!p0 $0x1BF5;
	p2 =	por !p2, p0  }
0x20: {  	[sflag:s8] =	ssyncset.s32 @!p0 $0xFFFFF086;
	s6 =	sadd.s32 @!p0 s3, s7;
	s7 =	simm.s32 @!p0 $0x108  }
0x21: {  	s3 =	sadd.s32 s3, s9;
	s6 =	sadd.s32 @!p0 $0x88, s6;
	s7 =	simm.s32 @p2 $0x1082  }
0x22: {  	[simem:s7], [sflag:s8] =	dma.local @!p0 [hbm:s6], $0xF7A  }
0x23: {  	s9 =	sor.u32 $0xD0000000, s2;
	s6 =	simm.s32 $0x108;
	_ =	swait.ge @!p0 [sflag:s8], $0x0  }
0x24: {  	s3 =	sadd.s32 $0x88, s3;
	s6 =	simm.s32 @!p1 $0x1082;
	[sflag:s4] =	ssyncset.s32 $0xFFFFF086  }
0x25: {  	[simem:s6], [sflag:s4] =	dma.local [hbm:s3], $0xF7A  }
0x26: {  	[smem:$0x3F9B] =	sst s1;
	(tag) =	ssettag s2;
	_ =	strace s9  }
0x27: {  	s1 =	sld [smem:$0x3FAB]  }
0x28: {  	s2 =	sld [smem:$0x3FAC]  }
0x29: {  	s4 =	sld [smem:$0x3FAE]  }
0x2a: {  	p0 =	seq.s32 s5, $0x0;
	s5 =	sld [smem:$0x3FAF]  }
0x2b: {  	s6 =	sld [smem:$0x3FB0]  }
0x2c: {  	s7 =	sld [smem:$0x3FB1]  }
0x2d: {  	s3 =	simm.s32 $0x108;
	s8 =	sld [smem:$0x3FB2]  }
0x2e: {  	s3 =	simm.s32 @!p0 $0x1082;
	s9 =	sld [smem:$0x3FB3]  }
0x2f: {  	lr =	sadd.s32 s0, s3;
	s0 =	sld [smem:$0x3FAA]  }
0x30: {  	s3 =	sld [smem:$0x3FAD]  }
0x31: {  	[smem:$0x3FB6] =	sst s10  }
0x32: {  	s10 =	sld [smem:$0x3FB4];
	_ =	sdelay $0x3  }
0x33: {  	p0 =	seq.s32 s10, $0x1;
	s10 =	sld [smem:$0x3FB6];
	_ =	sdelay $0x3  }
0x34: {  	[smem:$0x3FB6] =	sst s10  }
0x35: {  	s10 =	sld [smem:$0x3FB5];
	_ =	sdelay $0x3  }
0x36: {  	p1 =	seq.s32 s10, $0x1;
	s10 =	sld [smem:$0x3FB6];
	_ =	sdelay $0x3  }
0x37: {  	[smem:$0x3FB6] =	sst s10  }
0x38: {  	s10 =	sld [smem:$0x3FB7]  }
0x39: {  	_ = 	snop;
	(pc) =	sbr.ind lr, $3  }
0x3a: {  	_ = 	snop  }
0x3b: {  	_ = 	snop  }
0x3c: {  	p2 =	seq.s32 s10, $0x1;
	s10 =	sld [smem:$0x3FB6]  }
0x3d: {  	_ =	shalt  }
0x3e: {  	_ =	shalt  }
0x3f: {  	_ =	shalt  }
0x40: {  	_ =	shalt  }
0x41: {  	_ =	shalt  }
0x42: {  	_ =	shalt  }
0x43: {  	_ =	shalt  }
0x44: {  	_ =	shalt  }
0x45: {  	_ =	shalt  }
0x46: {  	_ =	shalt  }
0x47: {  	_ =	shalt  }
0x48: {  	_ =	shalt  }
0x49: {  	_ =	shalt  }
0x4a: {  	_ =	shalt  }
0x4b: {  	_ =	shalt  }
0x4c: {  	_ =	shalt  }
0x4d: {  	_ =	shalt  }
0x4e: {  	_ =	shalt  }
0x4f: {  	_ =	shalt  }
0x50: {  	_ =	shalt  }
0x51: {  	_ =	shalt  }
0x52: {  	_ =	shalt  }
0x53: {  	_ =	shalt  }
0x54: {  	_ =	shalt  }
0x55: {  	_ =	shalt  }
0x56: {  	_ =	shalt  }
0x57: {  	_ =	shalt  }
0x58: {  	_ =	shalt  }
0x59: {  	_ =	shalt  }
0x5a: {  	_ =	shalt  }
0x5b: {  	_ =	shalt  }
0x5c: {  	_ =	shalt  }
0x5d: {  	_ =	shalt  }
0x5e: {  	_ =	shalt  }
0x5f: {  	_ =	shalt  }
0x60: {  	_ =	shalt  }
0x61: {  	_ =	shalt  }
0x62: {  	_ =	shalt  }
0x63: {  	_ =	shalt  }
0x64: {  	_ =	shalt  }
0x65: {  	_ =	shalt  }
0x66: {  	_ =	shalt  }
0x67: {  	_ =	shalt  }
0x68: {  	_ =	shalt  }
0x69: {  	_ =	shalt  }
0x6a: {  	_ =	shalt  }
0x6b: {  	_ =	shalt  }
0x6c: {  	_ =	shalt  }
0x6d: {  	_ =	shalt  }
0x6e: {  	_ =	shalt  }
0x6f: {  	_ =	shalt  }
0x70: {  	_ =	shalt  }
0x71: {  	_ =	shalt  }
0x72: {  	_ =	shalt  }
0x73: {  	_ =	shalt  }
0x74: {  	_ =	shalt  }
0x75: {  	_ =	shalt  }
0x76: {  	_ =	shalt  }
0x77: {  	_ =	shalt  }
0x78: {  	_ =	shalt  }
0x79: {  	_ =	shalt  }
0x7a: {  	_ =	shalt  }
0x7b: {  	_ =	shalt  }
0x7c: {  	_ =	shalt  }
0x7d: {  	_ =	shalt  }
0x7e: {  	_ =	shalt  }
0x7f: {  	_ =	shalt  }
0x80: {  	_ =	shalt  }
0x81: {  	_ =	shalt  }
0x82: {  	_ =	shalt  }
0x83: {  	_ =	shalt  }
0x84: {  	_ =	shalt  }
0x85: {  	_ =	shalt  }
0x86: {  	_ =	shalt  }
0x87: {  	_ =	shalt  }
.Lfunc_end0:
.L_simem_size_0:
called_computation.3_lowered:
.L_overlay_start_0:
0x88: {  	s2 =	sld [smem:$0x3FD9]  }
0x89: {  	s3 =	sld [smem:$0x3FFE];
	_ =	sdelay $0x1  }
0x8a: {  	s1 =	srdreg.scid  }
0x8b: {  	s0 =	sand.u32 $0x1, s1  }
0x8c: {  	s17 =	sshll.u32 s0, $0xA;
	s2 =	sadd.s32 s3, s2  }
0x8d: {  	s2 =	sadd.s32 s2, s17  }
0x8e: {  	[smem:$0x3FC2] =	sst s2  }
0x8f: {  	_ = 	snop  }
0x90: {  	(tm) =	ssettm $0x1  }
0x91: {  	s18 =	sld [smem:$0x3FFB];
	_ =	sdelay $0x3  }
0x92: {  	_ =	strace s18  }
0x93: {  	s2 =	sld [smem:$0x3FFC];
	_ =	sdelay $0x3  }
0x94: {  	_ =	strace s2  }
0x95: {  	s2 =	sld [smem:$0x3FFD];
	_ =	sdelay $0x3  }
0x96: {  	_ =	strace s2  }
0x97: {  	_ =	strace $0x8FFFFFFF  }
0x98: {  	s19 =	sld [smem:$0x3FDB];
	_ =	sdelay $0x1  }
0x99: {  	s20 =	simm.s32 $_scs_section_size  }
0x9a: {  	s4 =	simm.s32 $_size__tile_overlayer_lowered;
	s5 =	simm.s32 $_tile_overlayer_lowered  }
0x9b: {  	s6 =	simm.s32 $0x1BFF;
	s21 =	sshll.u32 s5, $0x1;
	s3 =	sadd.s32 s20, s19  }
0x9c: {  	s22 =	simm.s32 $0x0;
	s4 =	sshll.u32 s4, $0x1;
	s5 =	sadd.s32 s21, s3  }
0x9d: {  	[timem:s22], [sflag:s6] =	dma.local [hbm:s5], s4  }
0x9e: {  	_ =	swait.ge [sflag:s6], s4  }
0x9f: {  	s4 =	ssub.s32 $0x0, s4;
	[sflag:s6] =	ssyncset.done $0x0  }
0xa0: {  	[sflag:s6] =	ssyncadd.s32 s4;
	_ =	sdelay $0x1  }
0xa1: {  	s23 =	simm.s32 $0x1B8B  }
0xa2: {  	_ =	swait.ge [sflag:s23], $0x1  }
0xa3: {  	[sflag:s23] =	ssyncset.done $0x0  }
0xa4: {  	[sflag:s23] =	ssyncadd.s32 $0xFFFFFFFF  }
0xa5: {  	s4 =	sld [smem:$0x0]  }
0xa6: {  	s5 =	sand.u32 $0xFFFFFFFE, s1  }
0xa7: {  	p0 =	sne.s32 s1, s5  }
0xa8: {  	s5 =	sshll.u32 @p0 s5, $0xE  }
0xa9: {  	s5 =	sadd.s32 @p0 $0x11B8D, s5;
	s6 =	sshll.u32 @p0 s4, $0x11  }
0xaa: {  	s5 =	sor.u32 @p0 s6, s5  }
0xab: {  	[sflag:s5] =	ssyncadd.remote.s32 @p0 $0x1;
	_ =	sdelay $0x1  }
0xac: {  	s5 =	simm.s32 @p0 $0x1B8D  }
0xad: {  	_ =	swait.eq @p0 [sflag:s5], $0x1  }
0xae: {  	[sflag:s5] =	ssyncadd.s32 @p0 $0xFFFFFFFF  }
0xaf: {  	s6 =	sshll.u32 @!p0 s1, $0xE  }
0xb0: {  	s6 =	sor.u32 @!p0 $0x4000, s6;
	s5 =	simm.s32 @!p0 $0x1B8D  }
0xb1: {  	s4 =	sshll.u32 @!p0 s4, $0x11;
	s6 =	sadd.s32 @!p0 $0x11B8D, s6;
	_ =	swait.eq @!p0 [sflag:s5], $0x1  }
0xb2: {  	s4 =	sor.u32 @!p0 s4, s6;
	[sflag:s5] =	ssyncadd.s32 @!p0 $0xFFFFFFFF  }
0xb3: {  	s25 =	simm.s32 $0x1B8E;
	s24 =	sld [smem:$0x3FFE];
	[sflag:s4] =	ssyncadd.remote.s32 @!p0 $0x1  }
0xb4: {  	s26 =	simm.s32 $execute0_lowered;
	[smem:$0x3FD2] =	sst s25  }
0xb5: {  	s5 =	sshll.u32 s26, $0x1;
	_ =	strace $0x8000004F;
	[dreg:$0x1] =	wrdreg $0xFFFFFFFF  }
0xb6: {  	s28 =	simm.s32 $_size_execute0_lowered;
	s3 =	sadd.s32 s3, s5;
	[dreg:$0x0] =	wrdreg $0x0  }
0xb7: {  	s5 =	sshll.u32 s28, $0x1;
	[dreg:$0x2] =	wrdreg s3  }
0xb8: {  	[dreg:$0x3] =	wrdreg s5  }
0xb9: {  	[dreg:$0x4] =	wrdreg $0xC0  }
0xba: {  	_ =	task [dreg:s22], $0x5FFFF  }
0xbb: {  	[dreg:$0x1] =	wrdreg $0xFFFFFFFF  }
0xbc: {  	[dreg:$0x0] =	wrdreg $0x60  }
0xbd: {  	[dreg:$0x2] =	wrdreg s24  }
0xbe: {  	[dreg:$0x3] =	wrdreg $0xC  }
0xbf: {  	_ =	task.clear_ibuf [dreg:s22], $0x4FFFF;
	_ =	strace $0x9000004F  }
0xc0: {  	s29 =	simm.s32 $0xC;
	_ =	strace $0x80000051  }
0xc1: {  	_ =	swait.ge [sflag:s29], $0x1  }
0xc2: {  	[sflag:s29] =	ssyncadd.s32 $0xFFFFFFFF  }
0xc3: {  	_ =	strace $0x90000051  }
0xc4: {  	_ =	sfence  }
0xc5: {  	s30 =	sld [smem:$0x0];
	_ =	sdelay $0x2  }
0xc6: {  	s31 =	sshll.u32 s1, $0xD;
	s1 =	sshrl.u32 s1, $0x2  }
0xc7: {  	s4 =	sand.u32 $0x4000, s31;
	s1 =	sadd.s32 s1, s30  }
0xc8: {  	s0 =	sor.u32 s4, s0;
	s1 =	sshll.u32 s1, $0x11  }
0xc9: {  	s0 =	sor.u32 s1, s0  }
0xca: {  	s0 =	sadd.s32 $0x8F2B, s0  }
0xcb: {  	[sflag:s0] =	ssyncadd.remote.s32 $0x1  }
0xcc: {  	_ =	sfence.sel $0xFFFF  }
0xcd: {  	[dreg:$0x0] =	wrdreg $0xFFFFFFFF;
	(pc) =	sbr.abs _section_cstart, $3  }
0xce: {  	[dreg:$0x1] =	wrdreg $0xFFFFFFFF  }
0xcf: {  	_ =	task.clear_ibuf [dreg:s22], $0x2FFFF;
	_ =	strace $0x9FFFFFFF  }
0xd0: {  	(tm) =	ssettm $0x7FFFFFFF  }
0xd1: {  	_ =	shalt  }
tec
execute0_lowered:
.L_overlay_start_1:
0x0: {  	(tag) =	ssettag $0x1  }
0x1: {  	s5 =	rddreg [dreg:$0x0];
	s2 =	srdreg.scid  }
0x2: {  	s0 =	rddreg [dreg:$0x1];
	s1 =	stileid.u32  }
0x3: {  	s9 =	simm.s32 $0x8000;
	s10 =	simm.s32 $0x2;
	s11 =	simm.s32 $0x80  }
0x4: {  	s12 =	simm.s32 $0x500;
	s13 =	simm.s32 $0x1;
	s14 =	simm.s32 $0x4500  }
0x5: {  	s15 =	simm.s32 $0x0;
	s4 =	sand.u32 $0x1, s2;
	s2 =	simm.s32 $0x0  }
0x6: {  	s3 =	sshll.u32 s1, $0xB;
	s6 =	sshll.u32 s4, $0xA;
	[smem:$0x7FF] =	sst s2  }
0x7: {  	s7 =	ssub.s32 $0x2, s4;
	s4 =	sadd.s32 $0x1168800, s5;
	s3 =	sor.u32 s6, s3  }
0x8: {  	_ =	strace $0x80000050;
	s8 =	sshrl.u32 s7, $0x1;
	s6 =	sshrl.u32 s3, $0x3  }
0x9: {  	v1 =	vlaneseq.u32;
	s7 =	ssub.s32 s7, s8;
	s8 =	simm.s32 $0x400;
	s6 =	sadd.s32 s6, s5  }
0xa: {  	v0 =	vimm.s32 $0x0;
	v1 =	vmul.u32 $0x80, v1;
	s5 =	sadd.s32 $0x166F800, s5;
	s7 =	smax.u32 s7, $0x1;
	s6 =	sadd.s32 $0x1137800, s6  }
.LBB2_1:
0xb: {  	[tilespmem:s2], [sflag:$0x2] =	stream.strided.gather [hbm4b:s6+s8], $0x0, s9, s8, $0x38;
	[tilespmem:$0x6500] =	vst v63  }
0xc: {  	_ = 	snop  }
0xd: {  	[tilespmem:s2], [sflag:$0x2] =	stream.linear.gather [hbm4b:s6+s2], $0x300, $0x38;
	[tilespmem:$0x6500] =	vst v63  }
0xe: {  	_ =	swait.ge [sflag:s10], $0x300  }
0xf: {  	[sflag:s10] =	ssyncset.done $0x0  }
0x10: {  	s16 =	simm.s32 $0x0;
	[sflag:s10] =	ssyncadd.s32 $0xFFFFFD00  }
.LBB2_2:
0x11: {  	s17 =	sshll.u32 s16, $0x7  }
0x12: {  	s17 =	sand.u32 $0x3FFFFF80, s17  }
0x13: {  	v2 =	vld [tilespmem:s17+$0x0];
	_ =	sdelay $0x3  }
0x14: {  	s18 =	smul.u32 $0xD680, s16  }
0x15: {  	vm0 =	vgt.s32 v2, $0xC2FF  }
0x16: {  	v2 =	vadd.s32 s18, v2;
	v3 =	vsel vm0, $0xFFFF3D00, v0  }
0x17: {  	v2 =	vadd.s32 v3, v2  }
0x18: {  	[tilespmem:$0x400] =	vst v2;
	v2 =	vsel vm0, $0x40, v0  }
0x19: {  	[tilespmem:$0x480] =	vst v2  }
0x1a: {  	v2 =	vld [tilespmem:s17+$0x10];
	_ =	sdelay $0x4  }
0x1b: {  	vm9 =	vgt.s32 v2, $0xC2FF  }
0x1c: {  	v2 =	vadd.s32 s18, v2;
	v3 =	vsel vm9, $0xFFFF3D00, v0  }
0x1d: {  	v2 =	vadd.s32 v3, v2  }
0x1e: {  	[tilespmem:$0x410] =	vst v2;
	v2 =	vsel vm9, $0x40, v0  }
0x1f: {  	[tilespmem:$0x490] =	vst v2  }
0x20: {  	v2 =	vld [tilespmem:s17+$0x20];
	_ =	sdelay $0x4  }
0x21: {  	vm10 =	vgt.s32 v2, $0xC2FF  }
0x22: {  	v2 =	vadd.s32 s18, v2;
	v3 =	vsel vm10, $0xFFFF3D00, v0  }
0x23: {  	v2 =	vadd.s32 v3, v2  }
0x24: {  	[tilespmem:$0x420] =	vst v2;
	v2 =	vsel vm10, $0x40, v0  }
0x25: {  	[tilespmem:$0x4A0] =	vst v2  }
0x26: {  	v2 =	vld [tilespmem:s17+$0x30];
	_ =	sdelay $0x4  }
0x27: {  	vm11 =	vgt.s32 v2, $0xC2FF  }
0x28: {  	v2 =	vadd.s32 s18, v2;
	v3 =	vsel vm11, $0xFFFF3D00, v0  }
0x29: {  	v2 =	vadd.s32 v3, v2  }
0x2a: {  	[tilespmem:$0x430] =	vst v2;
	v2 =	vsel vm11, $0x40, v0  }
0x2b: {  	[tilespmem:$0x4B0] =	vst v2  }
0x2c: {  	v2 =	vld [tilespmem:s17+$0x40];
	_ =	sdelay $0x4  }
0x2d: {  	vm12 =	vgt.s32 v2, $0xC2FF  }
0x2e: {  	v2 =	vadd.s32 s18, v2;
	v3 =	vsel vm12, $0xFFFF3D00, v0  }
0x2f: {  	v2 =	vadd.s32 v3, v2  }
0x30: {  	[tilespmem:$0x440] =	vst v2;
	v2 =	vsel vm12, $0x40, v0  }
0x31: {  	[tilespmem:$0x4C0] =	vst v2  }
0x32: {  	v2 =	vld [tilespmem:s17+$0x50];
	_ =	sdelay $0x4  }
0x33: {  	vm13 =	vgt.s32 v2, $0xC2FF  }
0x34: {  	v2 =	vadd.s32 s18, v2;
	v3 =	vsel vm13, $0xFFFF3D00, v0  }
0x35: {  	v2 =	vadd.s32 v3, v2  }
0x36: {  	[tilespmem:$0x450] =	vst v2;
	v2 =	vsel vm13, $0x40, v0  }
0x37: {  	[tilespmem:$0x4D0] =	vst v2  }
0x38: {  	v2 =	vld [tilespmem:s17+$0x60];
	_ =	sdelay $0x4  }
0x39: {  	vm14 =	vgt.s32 v2, $0xC2FF  }
0x3a: {  	v2 =	vadd.s32 s18, v2;
	v3 =	vsel vm14, $0xFFFF3D00, v0  }
0x3b: {  	v2 =	vadd.s32 v3, v2  }
0x3c: {  	[tilespmem:$0x460] =	vst v2;
	v2 =	vsel vm14, $0x40, v0  }
0x3d: {  	[tilespmem:$0x4E0] =	vst v2  }
0x3e: {  	v2 =	vld [tilespmem:s17+$0x70];
	_ =	sdelay $0x4  }
0x3f: {  	vm15 =	vgt.s32 v2, $0xC2FF  }
0x40: {  	v2 =	vadd.s32 s18, v2;
	v3 =	vsel vm15, $0xFFFF3D00, v0  }
0x41: {  	v2 =	vadd.s32 v3, v2  }
0x42: {  	[tilespmem:$0x470] =	vst v2;
	v2 =	vsel vm15, $0x40, v0  }
0x43: {  	[tilespmem:$0x4F0] =	vst v2  }
0x44: {  	[tilespmem:s12], [sflag:$0x1] =	stream.indirect.gather [hbm4b:s4+s11], $0x80, s8, s11, $0xb8;
	[tilespmem:$0x6500] =	vst v63  }
0x45: {  	_ =	swait.ge [sflag:s13], $0x4000  }
0x46: {  	s19 =	simm.s32 $0x0;
	[sflag:s13] =	ssyncset.done $0x0  }
0x47: {  	s17 =	simm.s32 $0x0;
	s18 =	simm.s32 $0x4500;
	[sflag:s13] =	ssyncadd.s32 $0xFFFFC000  }
.LBB2_3:
0x48: {  	s20 =	sshll.u32 s19, $0x4  }
0x49: {  	v3 =	vld [tilespmem:s20+$0x480];
	_ =	sdelay $0x3  }
0x4a: {  	v2 =	vmov s20  }
0x4b: {  	v2 =	vshll.u32 v2, $0x7;
	v4 =	vadd.s32 s17, v3  }
0x4c: {  	v2 =	vor.u32 v1, v2;
	v5 =	vand.u32 $0xFFFFFF80, v4  }
0x4d: {  	v4 =	vand.u32 $0x7F, v4;
	v5 =	vadd.s32 v2, v5  }
0x4e: {  	v4 =	vor.u32 v4, v5;
	_ =	sdelay $0x3  }
0x4f: {  	s30 =	simm.s32 $0x1  }
0x50: {  	v6 =	vld.idx.msk [tilespmem:v4+s12+$0x0], $0xffff;
	v4 =	vadd.s32 s30, v3  }
0x51: {  	v5 =	vand.u32 $0xFFFFFF80, v4  }
0x52: {  	v4 =	vand.u32 $0x7F, v4;
	v5 =	vadd.s32 v2, v5  }
0x53: {  	v4 =	vor.u32 v4, v5;
	_ =	sdelay $0x2  }
0x54: {  	s31 =	simm.s32 $0x2  }
0x55: {  	s21 =	simm.s32 $0x3;
	s20 =	smov.u32 s18;
	v5 =	vadd.s32 s31, v3;
	[tilespmem:s18+$0x0] =	vst v6  }
.LBB2_4:
0x56: {  	p0 =	sne.s32 s21, $0x3F;
	v6 =	vand.u32 $0xFFFFFF80, v5;
	v7 =	vld.idx.msk [tilespmem:v4+s12+$0x0], $0xffff  }
0x57: {  	v4 =	vand.u32 $0x7F, v5;
	v5 =	vadd.s32 v2, v6  }
.Ltmp0:
0x58: {  	v4 =	vor.u32 v4, v5;
	(pc) =	sbr.rel @p0 .LBB2_4-.Ltmp0, $3  }
0x59: {  	_ =	sdelay $0x1  }
0x5a: {  	s20 =	sadd.s32 $0x80, s20  }
0x5b: {  	v5 =	vadd.s32 s21, v3;
	s21 =	sadd.s32 $0x1, s21;
	[tilespmem:s20+$0x0] =	vst v7  }
0x5c: {  	_ =	sdelay $0x2  }
0x5d: {  	v3 =	vand.u32 $0xFFFFFF80, v5  }
0x5e: {  	v4 =	vld.idx.msk [tilespmem:v4+s12+$0x0], $0xffff;
	v63 =	vand.u32 $0x7F, v5;
	v2 =	vadd.s32 v2, v3  }
0x5f: {  	v2 =	vor.u32 v63, v2;
	_ =	sdelay $0x2  }
0x60: {  	s20 =	sadd.s32 $0x80, s20  }
0x61: {  	s19 =	sadd.s32 $0x1, s19;
	[tilespmem:s20+$0x0] =	vst v4  }
0x62: {  	p0 =	sne.s32 s19, $0x8;
	v2 =	vld.idx.msk [tilespmem:v2+s12+$0x0], $0xffff  }
.Ltmp1:
0x63: {  	_ = 	snop;
	(pc) =	sbr.rel @p0 .LBB2_3-.Ltmp1, $3  }
0x64: {  	_ =	sdelay $0x1  }
0x65: {  	s20 =	sadd.s32 $0x80, s20  }
0x66: {  	s18 =	sadd.s32 $0x10, s18;
	[tilespmem:s20+$0x0] =	vst v2  }
0x67: {  	s17 =	sshll.u32 s16, $0x12  }
0x68: {  	s16 =	sadd.s32 $0x1, s16;
	s17 =	sor.u32 s3, s17  }
0x69: {  	p0 =	sne.s32 s16, $0x6;
	s17 =	sshrl.u32 s17, $0x3  }
.Ltmp2:
0x6a: {  	s17 =	sadd.s32 s5, s17;
	(pc) =	sbr.rel @p0 .LBB2_2-.Ltmp2, $4  }
0x6b: {  	[hbm4b:s17+s8] =	stream.strided.scatter [tilespmem:s14], [sflag:$0x2], $0x2000, s9, s8, $0x38;
	[tilespmem:$0x6500] =	vst v63  }
0x6c: {  	_ =	swait.ge [sflag:s10], $0x2000  }
0x6d: {  	[sflag:s10] =	ssyncset.done $0x0  }
0x6e: {  	[sflag:s10] =	ssyncadd.s32 $0xFFFFE000  }
0x6f: {  	s15 =	sadd.s32 $0x1, s15  }
0x70: {  	p0 =	sne.s32 s15, s7  }
.Ltmp3:
0x71: {  	_ = 	snop;
	(pc) =	sbr.rel @p0 .LBB2_1-.Ltmp3, $1  }
0x72: {  	_ =	sdelay $0x3  }
0x73: {  	_ =	sfence.sel $0x180000  }
0x74: {  	[bflag:$0x0] =	sbarrier.arrive $0xFFFF  }
0x75: {  	p0 =	sne.s32 s1, $0x0;
	_ =	strace $0x90000050  }
0x76: {  	s0 =	sadd.s32 @!p0 $0x100000, s0;
	[bflag:$0x2] =	sbarrier.arrive $0xFFFF  }
0x77: {  	[sflag:s0] =	ssyncadd.tile.s32 @!p0 $0x1;
	_ =	shalt  }
.Lfunc_end2:
_tile_overlayer_lowered:
.L_overlay_start_2:
0x78: {  	(tag) =	ssettag $0x2  }
0x79: {  	s0 =	rddreg [dreg:$0x0];
	s2 =	stileid.u32  }
0x7a: {  	s1 =	rddreg [dreg:$0x1];
	p0 =	sne.s32 s2, $0x0  }
0x7b: {  	s3 =	rddreg [dreg:$0x2];
	[bflag:$0x3] =	sbarrier.arrive $0xFFFF;
	s2 =	simm.s32 @!p0 $0x1C02  }
0x7c: {  	[timem:s3], [sflag:s2] =	dma.local @!p0 [hbm:s0], s1  }
0x7d: {  	s0 =	simm.s32 @!p0 $0x2  }
0x7e: {  	_ =	swait.ge @!p0 [sflag:s0], s1  }
0x7f: {  	s1 =	ssub.s32 @!p0 $0x0, s1;
	[sflag:s0] =	ssyncset.done @!p0 $0x0  }
0x80: {  	[sflag:s0] =	ssyncadd.s32 @!p0 s1  }
0x81: {  	[bflag:$0x3] =	sbarrier.arrive $0xFFFF  }
0x82: {  	_ =	shalt  }

</sc_bundles>
